<compile_context>
chip_gen: v7x
topology: tpu7x:2x2x1
jax: 0.10.2.dev20260603
libtpu: 0.0.44.dev20260713+nightly
codegen_flags: <defaults>
</compile_context>

<pallas_src>
import functools

import jax
import jax.numpy as jnp
from jax import lax
from jax.experimental import pallas as pl
from jax.experimental.pallas import tpu as pltpu
from jax.experimental.pallas import tpu_sc as plsc

D = 64
DP = 128
N0 = 4096
N1 = 50
NC, NS = 2, 16
NW = NC * NS
CHUNK = 128

_mesh = plsc.VectorSubcoreMesh(core_axis_name="c", subcore_axis_name="s")


@functools.partial(
    pl.kernel,
    mesh=_mesh,
    out_type=jax.ShapeDtypeStruct((N1, D, N0), jnp.float32),
    scratch_types=[
        pltpu.VMEM((N1, CHUNK), jnp.int32),
        pltpu.VMEM((CHUNK, DP), jnp.float32),
        pltpu.VMEM((CHUNK, DP), jnp.float32),
        pltpu.VMEM((8, 8, CHUNK), jnp.float32),
        pltpu.VMEM((8, 8, CHUNK), jnp.float32),
        pltpu.SemaphoreType.DMA,
        pltpu.SemaphoreType.DMA,
        pltpu.SemaphoreType.DMA,
        pltpu.SemaphoreType.DMA,
    ],
    compiler_params=pltpu.CompilerParams(needs_layout_passes=False),
)
def _gather_kernel(idx_hbm, table_hbm, out_hbm, idx_v, buf0, buf1,
                   obuf0, obuf1, g0, g1, o0, o1):
    nc = lax.axis_index("s") * NC + lax.axis_index("c")
    pltpu.sync_copy(idx_hbm.at[:, nc], idx_v)

    lane = lax.iota(jnp.int32, 16)
    rows = [lane + lb * 16 for lb in range(8)]

    def fire(n1, buf, gsem):
        pltpu.async_copy(table_hbm.at[idx_v.at[n1]], buf, gsem)

    def wait_gather(buf, gsem):
        pltpu.make_async_copy(table_hbm.at[idx_v.at[0]], buf, gsem).wait()

    def transpose_tile(buf, obuf):
        obuf2 = obuf.reshape(D, CHUNK)

        @plsc.parallel_loop(0, D, 1, unroll=4)
        def body(d):
            col = jnp.broadcast_to(d, (16,)).astype(jnp.int32)
            for lb in range(8):
                v = plsc.load_gather(buf, [rows[lb], col])
                obuf2[d, pl.ds(lb * 16, 16)] = v

    def flush_tile(n1, obuf, osem):
        for db in range(8):
            pltpu.async_copy(
                obuf.at[db],
                out_hbm.at[n1, pl.ds(db * 8, 8), pl.ds(nc * CHUNK, CHUNK)],
                osem,
            )

    def drain_flush(obuf, osem):
        for db in range(8):
            pltpu.make_async_copy(
                obuf.at[db],
                out_hbm.at[0, pl.ds(db * 8, 8), pl.ds(nc * CHUNK, CHUNK)],
                osem,
            ).wait()

    fire(0, buf0, g0)

    def body(p, carry):
        a = 2 * p
        fire(a + 1, buf1, g1)
        wait_gather(buf0, g0)

        @pl.when(p > 0)
        def _():
            drain_flush(obuf0, o0)

        transpose_tile(buf0, obuf0)
        flush_tile(a, obuf0, o0)

        @pl.when(p < N1 // 2 - 1)
        def _():
            fire(a + 2, buf0, g0)

        wait_gather(buf1, g1)

        @pl.when(p > 0)
        def _():
            drain_flush(obuf1, o1)

        transpose_tile(buf1, obuf1)
        flush_tile(a + 1, obuf1, o1)
        return carry

    lax.fori_loop(0, N1 // 2, body, 0)
    drain_flush(obuf0, o0)
    drain_flush(obuf1, o1)


def kernel(words, table):
    idx = words.T.reshape(N1, NW, CHUNK)
    tpad = jnp.pad(table, ((0, 0), (0, DP - D)))
    out3d = _gather_kernel(idx, tpad)
    return out3d.transpose(2, 0, 1)

# --- scband reference (transcript-rebuilt; emitter-appended) ---
"""Pipeline reference for scband-embeddings-with-dropout-31774168055822 (READ-ONLY COPY).

The authoritative reference and input builder live on the scoring server;
editing this copy changes nothing except your own understanding.
"""

import jax, jax.numpy as jnp
import numpy as np

VOCAB = 1000000
EMBED_DIM = 64
BATCH = 4096
HIST = 50
PADDING_IDX = 0

def setup_inputs(seed: int = 0) -> dict:
    key = jax.random.key(seed)
    k1, k2 = jax.random.split(key)
    words = jax.random.randint(k1, (BATCH, HIST), 0, VOCAB, dtype=jnp.int32)
    table = jax.random.normal(k2, (VOCAB, EMBED_DIM), dtype=jnp.float32) * 0.02
    return {"words": words, "table": table}

def reference(words, table):
    # Eval-mode forward of EmbeddingsWithDropout: embedding dropout is inactive
    # (self.training is False), so this is a plain F.embedding lookup.
    # padding_idx only affects gradients, not the forward values.
    return jnp.take(table, words, axis=0)

if __name__ == "__main__":
    import jax
    _d = setup_inputs()
    print(jax.jit(kernel)(*tuple(_d.values())))

</pallas_src>

<mosaic_0001>
#map = affine_map<(d0, d1) -> (0, 0, 0)>
#map1 = affine_map<(d0, d1) -> (0, 0)>
module attributes {stable_mosaic.version = 14 : i64} {
  func.func @_gather_kernel(%arg0: i32, %arg1: i32, %arg2: memref<50x32x128xi32, #tpu.memory_space<hbm>>, %arg3: memref<1000000x128xf32, #tpu.memory_space<hbm>>, %arg4: memref<50x64x4096xf32, #tpu.memory_space<hbm>>, %arg5: memref<50x128xi32, #tpu.memory_space<vmem>>, %arg6: memref<128x128xf32, #tpu.memory_space<vmem>>, %arg7: memref<128x128xf32, #tpu.memory_space<vmem>>, %arg8: memref<8x8x128xf32, #tpu.memory_space<vmem>>, %arg9: memref<8x8x128xf32, #tpu.memory_space<vmem>>, %arg10: memref<!tpu.dma_semaphore, #tpu.memory_space<semaphore_mem>>, %arg11: memref<!tpu.dma_semaphore, #tpu.memory_space<semaphore_mem>>, %arg12: memref<!tpu.dma_semaphore, #tpu.memory_space<semaphore_mem>>, %arg13: memref<!tpu.dma_semaphore, #tpu.memory_space<semaphore_mem>>) attributes {dimension_semantics = [#tpu.dimension_semantics<core_parallel>, #tpu.dimension_semantics<subcore_parallel>], iteration_bounds = array<i64: 2, 16>, scalar_prefetch = 0 : i64, scratch_operands = 9 : i64, tpu.core_type = #tpu.core_type<sc_vector_subcore>, window_params = [{transform_indices = #map}, {transform_indices = #map1}, {transform_indices = #map}]} {
    %mul3A = arith.constant 2 : i32
    %mul3A_0 = arith.muli %arg1, %mul3A : i32
    %add3A = arith.addi %mul3A_0, %arg0 : i32
    "tpu.region"() ({
      %run_scoped3A = tpu.sem_alloc : memref<!tpu.dma_semaphore, #tpu.memory_space<semaphore_mem>>
      %dma_start3A_323 = arith.constant 0 : i32
      %dma_start3A_324 = arith.constant 0 : i32
      %dma_start3A_325 = tpu.memref_slice %arg2[%dma_start3A_323, %add3A, %dma_start3A_324] : memref<50x32x128xi32, #tpu.memory_space<hbm>> -> memref<50x1x128xi32, #tpu.memory_space<hbm>>
      %dma_start3A_326 = tpu.memref_squeeze %dma_start3A_325 : memref<50x1x128xi32, #tpu.memory_space<hbm>> -> memref<50x128xi32, #tpu.memory_space<hbm>>
      %dma_start3A_327 = arith.constant 0 : i32
      %dma_start3A_328 = arith.constant 0 : i32
      %dma_start3A_329 = tpu.memref_slice %arg2[%dma_start3A_327, %add3A, %dma_start3A_328] : memref<50x32x128xi32, #tpu.memory_space<hbm>> -> memref<50x1x128xi32, #tpu.memory_space<hbm>>
      %dma_start3A_330 = tpu.memref_squeeze %dma_start3A_329 : memref<50x1x128xi32, #tpu.memory_space<hbm>> -> memref<50x128xi32, #tpu.memory_space<hbm>>
      tpu.enqueue_dma source(%dma_start3A_330 : memref<50x128xi32, #tpu.memory_space<hbm>>) target(%arg5 : memref<50x128xi32, #tpu.memory_space<vmem>>) target_semaphore(%run_scoped3A : memref<!tpu.dma_semaphore, #tpu.memory_space<semaphore_mem>>)
      %dma_wait3A_331 = arith.constant 0 : i32
      %dma_wait3A_332 = arith.constant 0 : i32
      %dma_wait3A_333 = tpu.memref_slice %arg2[%dma_wait3A_331, %add3A, %dma_wait3A_332] : memref<50x32x128xi32, #tpu.memory_space<hbm>> -> memref<50x1x128xi32, #tpu.memory_space<hbm>>
      %dma_wait3A_334 = tpu.memref_squeeze %dma_wait3A_333 : memref<50x1x128xi32, #tpu.memory_space<hbm>> -> memref<50x128xi32, #tpu.memory_space<hbm>>
      %dma_wait3A_335 = arith.constant 0 : i32
      %dma_wait3A_336 = arith.constant 0 : i32
      %dma_wait3A_337 = tpu.memref_slice %arg2[%dma_wait3A_335, %add3A, %dma_wait3A_336] : memref<50x32x128xi32, #tpu.memory_space<hbm>> -> memref<50x1x128xi32, #tpu.memory_space<hbm>>
      %dma_wait3A_338 = tpu.memref_squeeze %dma_wait3A_337 : memref<50x1x128xi32, #tpu.memory_space<hbm>> -> memref<50x128xi32, #tpu.memory_space<hbm>>
      tpu.wait_dma2 semaphore(%run_scoped3A : memref<!tpu.dma_semaphore, #tpu.memory_space<semaphore_mem>>) src(%dma_wait3A_338 : memref<50x128xi32, #tpu.memory_space<hbm>>) dst(%arg5 : memref<50x128xi32, #tpu.memory_space<vmem>>)
      tpu.yield
    }) : () -> ()
    %iota3A = tpu.iota {dimensions = array<i32: 0>} : vector<16xi32>
    %add3A_1 = arith.constant 0 : i32
    %add3A_2 = vector.broadcast %add3A_1 : i32 to vector<16xi32>
    %add3A_3 = arith.addi %iota3A, %add3A_2 : vector<16xi32>
    %add3A_4 = arith.constant 16 : i32
    %add3A_5 = vector.broadcast %add3A_4 : i32 to vector<16xi32>
    %add3A_6 = arith.addi %iota3A, %add3A_5 : vector<16xi32>
    %add3A_7 = arith.constant 32 : i32
    %add3A_8 = vector.broadcast %add3A_7 : i32 to vector<16xi32>
    %add3A_9 = arith.addi %iota3A, %add3A_8 : vector<16xi32>
    %add3A_10 = arith.constant 48 : i32
    %add3A_11 = vector.broadcast %add3A_10 : i32 to vector<16xi32>
    %add3A_12 = arith.addi %iota3A, %add3A_11 : vector<16xi32>
    %add3A_13 = arith.constant 64 : i32
    %add3A_14 = vector.broadcast %add3A_13 : i32 to vector<16xi32>
    %add3A_15 = arith.addi %iota3A, %add3A_14 : vector<16xi32>
    %add3A_16 = arith.constant 80 : i32
    %add3A_17 = vector.broadcast %add3A_16 : i32 to vector<16xi32>
    %add3A_18 = arith.addi %iota3A, %add3A_17 : vector<16xi32>
    %add3A_19 = arith.constant 96 : i32
    %add3A_20 = vector.broadcast %add3A_19 : i32 to vector<16xi32>
    %add3A_21 = arith.addi %iota3A, %add3A_20 : vector<16xi32>
    %add3A_22 = arith.constant 112 : i32
    %add3A_23 = vector.broadcast %add3A_22 : i32 to vector<16xi32>
    %add3A_24 = arith.addi %iota3A, %add3A_23 : vector<16xi32>
    %dma_start3A = arith.constant 0 : i32
    %dma_start3A_25 = arith.constant 0 : i32
    %dma_start3A_26 = tpu.memref_slice %arg5[%dma_start3A, %dma_start3A_25] : memref<50x128xi32, #tpu.memory_space<vmem>> -> memref<1x128xi32, #tpu.memory_space<vmem>>
    %dma_start3A_27 = tpu.memref_squeeze %dma_start3A_26 : memref<1x128xi32, #tpu.memory_space<vmem>> -> memref<128xi32, #tpu.memory_space<vmem>>
    %dma_start3A_28 = arith.constant 0 : i32
    %dma_start3A_29 = arith.constant 0 : i32
    %dma_start3A_30 = tpu.memref_slice %arg3[%dma_start3A_28, %dma_start3A_29] : memref<1000000x128xf32, #tpu.memory_space<hbm>> -> memref<1000000x128xf32, #tpu.memory_space<hbm>>
    tpu.enqueue_indirect_dma source(%dma_start3A_30 : memref<1000000x128xf32, #tpu.memory_space<hbm>>) target(%arg6 : memref<128x128xf32, #tpu.memory_space<vmem>>) offsets(%dma_start3A_27 : memref<128xi32, #tpu.memory_space<vmem>>) semaphore(%arg10 : memref<!tpu.dma_semaphore, #tpu.memory_space<semaphore_mem>>)
    %scan3A = arith.constant 0 : i32
    %scan3A_31 = arith.constant 0 : i32
    %scan3A_32 = arith.constant 25 : i32
    %scan3A_33 = arith.addi %scan3A_31, %scan3A_32 : i32
    %scan3A_34 = arith.constant 1 : i32
    scf.for %scan3A_323 = %scan3A_31 to %scan3A_33 step %scan3A_34  : i32 {
      %mul3A_324 = arith.constant 2 : i32
      %mul3A_325 = arith.muli %mul3A_324, %scan3A_323 : i32
      %add3A_326 = arith.constant 1 : i32
      %add3A_327 = arith.addi %mul3A_325, %add3A_326 : i32
      %dma_start3A_328 = arith.constant 0 : i32
      %dma_start3A_329 = tpu.memref_slice %arg5[%add3A_327, %dma_start3A_328] : memref<50x128xi32, #tpu.memory_space<vmem>> -> memref<1x128xi32, #tpu.memory_space<vmem>>
      %dma_start3A_330 = tpu.memref_squeeze %dma_start3A_329 : memref<1x128xi32, #tpu.memory_space<vmem>> -> memref<128xi32, #tpu.memory_space<vmem>>
      %dma_start3A_331 = arith.constant 0 : i32
      %dma_start3A_332 = arith.constant 0 : i32
      %dma_start3A_333 = tpu.memref_slice %arg3[%dma_start3A_331, %dma_start3A_332] : memref<1000000x128xf32, #tpu.memory_space<hbm>> -> memref<1000000x128xf32, #tpu.memory_space<hbm>>
      tpu.enqueue_indirect_dma source(%dma_start3A_333 : memref<1000000x128xf32, #tpu.memory_space<hbm>>) target(%arg7 : memref<128x128xf32, #tpu.memory_space<vmem>>) offsets(%dma_start3A_330 : memref<128xi32, #tpu.memory_space<vmem>>) semaphore(%arg11 : memref<!tpu.dma_semaphore, #tpu.memory_space<semaphore_mem>>)
      %dma_wait3A_334 = arith.constant 0 : i32
      %dma_wait3A_335 = arith.constant 0 : i32
      %dma_wait3A_336 = tpu.memref_slice %arg5[%dma_wait3A_334, %dma_wait3A_335] : memref<50x128xi32, #tpu.memory_space<vmem>> -> memref<1x128xi32, #tpu.memory_space<vmem>>
      %dma_wait3A_337 = tpu.memref_squeeze %dma_wait3A_336 : memref<1x128xi32, #tpu.memory_space<vmem>> -> memref<128xi32, #tpu.memory_space<vmem>>
      %dma_wait3A_338 = arith.constant 0 : i32
      %dma_wait3A_339 = arith.constant 0 : i32
      %dma_wait3A_340 = tpu.memref_slice %arg3[%dma_wait3A_338, %dma_wait3A_339] : memref<1000000x128xf32, #tpu.memory_space<hbm>> -> memref<1000000x128xf32, #tpu.memory_space<hbm>>
      tpu.wait_indirect_dma semaphore(%arg10 : memref<!tpu.dma_semaphore, #tpu.memory_space<semaphore_mem>>) src(%dma_wait3A_340 : memref<1000000x128xf32, #tpu.memory_space<hbm>>) dst(%arg6 : memref<128x128xf32, #tpu.memory_space<vmem>>)
      %gt3A = arith.constant 0 : i32
      %gt3A_341 = arith.cmpi sgt, %scan3A_323, %gt3A : i32
      %convert_element_type3A = arith.extui %gt3A_341 : i1 to i32
      %cond3A = arith.constant 0 : i32
      %cond3A_342 = arith.cmpi ne, %convert_element_type3A, %cond3A : i32
      scf.if %cond3A_342 {
        %mul3A_638 = arith.constant 128 : i32
        %mul3A_639 = arith.muli %add3A, %mul3A_638 : i32
        %dma_wait3A_640 = arith.constant 0 : i32
        %dma_wait3A_641 = arith.constant 0 : i32
        %dma_wait3A_642 = arith.constant 0 : i32
        %dma_wait3A_643 = arith.constant 0 : i32
        %dma_wait3A_644 = tpu.memref_slice %arg8[%dma_wait3A_640, %dma_wait3A_642, %dma_wait3A_643] : memref<8x8x128xf32, #tpu.memory_space<vmem>> -> memref<1x8x128xf32, #tpu.memory_space<vmem>>
        %dma_wait3A_645 = tpu.memref_squeeze %dma_wait3A_644 : memref<1x8x128xf32, #tpu.memory_space<vmem>> -> memref<8x128xf32, #tpu.memory_space<vmem>>
        %dma_wait3A_646 = arith.constant 0 : i32
        %dma_wait3A_647 = tpu.memref_slice %arg4[%dma_wait3A_641, %dma_wait3A_646, %mul3A_639] : memref<50x64x4096xf32, #tpu.memory_space<hbm>> -> memref<1x8x128xf32, #tpu.memory_space<hbm>>
        %dma_wait3A_648 = tpu.memref_squeeze %dma_wait3A_647 : memref<1x8x128xf32, #tpu.memory_space<hbm>> -> memref<8x128xf32, #tpu.memory_space<hbm>>
        %dma_wait3A_649 = arith.constant 0 : i32
        %dma_wait3A_650 = tpu.memref_slice %arg4[%dma_wait3A_641, %dma_wait3A_649, %mul3A_639] : memref<50x64x4096xf32, #tpu.memory_space<hbm>> -> memref<1x8x128xf32, #tpu.memory_space<hbm>>
        %dma_wait3A_651 = tpu.memref_squeeze %dma_wait3A_650 : memref<1x8x128xf32, #tpu.memory_space<hbm>> -> memref<8x128xf32, #tpu.memory_space<hbm>>
        %dma_wait3A_652 = arith.constant 0 : i32
        %dma_wait3A_653 = arith.constant 0 : i32
        %dma_wait3A_654 = tpu.memref_slice %arg8[%dma_wait3A_640, %dma_wait3A_652, %dma_wait3A_653] : memref<8x8x128xf32, #tpu.memory_space<vmem>> -> memref<1x8x128xf32, #tpu.memory_space<vmem>>
        %dma_wait3A_655 = tpu.memref_squeeze %dma_wait3A_654 : memref<1x8x128xf32, #tpu.memory_space<vmem>> -> memref<8x128xf32, #tpu.memory_space<vmem>>
        tpu.wait_dma2 semaphore(%arg12 : memref<!tpu.dma_semaphore, #tpu.memory_space<semaphore_mem>>) src(%dma_wait3A_655 : memref<8x128xf32, #tpu.memory_space<vmem>>) dst(%dma_wait3A_651 : memref<8x128xf32, #tpu.memory_space<hbm>>)
        %mul3A_656 = arith.constant 128 : i32
        %mul3A_657 = arith.muli %add3A, %mul3A_656 : i32
        %dma_wait3A_658 = arith.constant 1 : i32
        %dma_wait3A_659 = arith.constant 0 : i32
        %dma_wait3A_660 = arith.constant 0 : i32
        %dma_wait3A_661 = arith.constant 0 : i32
        %dma_wait3A_662 = tpu.memref_slice %arg8[%dma_wait3A_658, %dma_wait3A_660, %dma_wait3A_661] : memref<8x8x128xf32, #tpu.memory_space<vmem>> -> memref<1x8x128xf32, #tpu.memory_space<vmem>>
        %dma_wait3A_663 = tpu.memref_squeeze %dma_wait3A_662 : memref<1x8x128xf32, #tpu.memory_space<vmem>> -> memref<8x128xf32, #tpu.memory_space<vmem>>
        %dma_wait3A_664 = arith.constant 8 : i32
        %dma_wait3A_665 = tpu.memref_slice %arg4[%dma_wait3A_659, %dma_wait3A_664, %mul3A_657] : memref<50x64x4096xf32, #tpu.memory_space<hbm>> -> memref<1x8x128xf32, #tpu.memory_space<hbm>>
        %dma_wait3A_666 = tpu.memref_squeeze %dma_wait3A_665 : memref<1x8x128xf32, #tpu.memory_space<hbm>> -> memref<8x128xf32, #tpu.memory_space<hbm>>
        %dma_wait3A_667 = arith.constant 8 : i32
        %dma_wait3A_668 = tpu.memref_slice %arg4[%dma_wait3A_659, %dma_wait3A_667, %mul3A_657] : memref<50x64x4096xf32, #tpu.memory_space<hbm>> -> memref<1x8x128xf32, #tpu.memory_space<hbm>>
        %dma_wait3A_669 = tpu.memref_squeeze %dma_wait3A_668 : memref<1x8x128xf32, #tpu.memory_space<hbm>> -> memref<8x128xf32, #tpu.memory_space<hbm>>
        %dma_wait3A_670 = arith.constant 0 : i32
        %dma_wait3A_671 = arith.constant 0 : i32
        %dma_wait3A_672 = tpu.memref_slice %arg8[%dma_wait3A_658, %dma_wait3A_670, %dma_wait3A_671] : memref<8x8x128xf32, #tpu.memory_space<vmem>> -> memref<1x8x128xf32, #tpu.memory_space<vmem>>
        %dma_wait3A_673 = tpu.memref_squeeze %dma_wait3A_672 : memref<1x8x128xf32, #tpu.memory_space<vmem>> -> memref<8x128xf32, #tpu.memory_space<vmem>>
        tpu.wait_dma2 semaphore(%arg12 : memref<!tpu.dma_semaphore, #tpu.memory_space<semaphore_mem>>) src(%dma_wait3A_673 : memref<8x128xf32, #tpu.memory_space<vmem>>) dst(%dma_wait3A_669 : memref<8x128xf32, #tpu.memory_space<hbm>>)
        %mul3A_674 = arith.constant 128 : i32
        %mul3A_675 = arith.muli %add3A, %mul3A_674 : i32
        %dma_wait3A_676 = arith.constant 2 : i32
        %dma_wait3A_677 = arith.constant 0 : i32
        %dma_wait3A_678 = arith.constant 0 : i32
        %dma_wait3A_679 = arith.constant 0 : i32
        %dma_wait3A_680 = tpu.memref_slice %arg8[%dma_wait3A_676, %dma_wait3A_678, %dma_wait3A_679] : memref<8x8x128xf32, #tpu.memory_space<vmem>> -> memref<1x8x128xf32, #tpu.memory_space<vmem>>
        %dma_wait3A_681 = tpu.memref_squeeze %dma_wait3A_680 : memref<1x8x128xf32, #tpu.memory_space<vmem>> -> memref<8x128xf32, #tpu.memory_space<vmem>>
        %dma_wait3A_682 = arith.constant 16 : i32
        %dma_wait3A_683 = tpu.memref_slice %arg4[%dma_wait3A_677, %dma_wait3A_682, %mul3A_675] : memref<50x64x4096xf32, #tpu.memory_space<hbm>> -> memref<1x8x128xf32, #tpu.memory_space<hbm>>
        %dma_wait3A_684 = tpu.memref_squeeze %dma_wait3A_683 : memref<1x8x128xf32, #tpu.memory_space<hbm>> -> memref<8x128xf32, #tpu.memory_space<hbm>>
        %dma_wait3A_685 = arith.constant 16 : i32
        %dma_wait3A_686 = tpu.memref_slice %arg4[%dma_wait3A_677, %dma_wait3A_685, %mul3A_675] : memref<50x64x4096xf32, #tpu.memory_space<hbm>> -> memref<1x8x128xf32, #tpu.memory_space<hbm>>
        %dma_wait3A_687 = tpu.memref_squeeze %dma_wait3A_686 : memref<1x8x128xf32, #tpu.memory_space<hbm>> -> memref<8x128xf32, #tpu.memory_space<hbm>>
        %dma_wait3A_688 = arith.constant 0 : i32
        %dma_wait3A_689 = arith.constant 0 : i32
        %dma_wait3A_690 = tpu.memref_slice %arg8[%dma_wait3A_676, %dma_wait3A_688, %dma_wait3A_689] : memref<8x8x128xf32, #tpu.memory_space<vmem>> -> memref<1x8x128xf32, #tpu.memory_space<vmem>>
        %dma_wait3A_691 = tpu.memref_squeeze %dma_wait3A_690 : memref<1x8x128xf32, #tpu.memory_space<vmem>> -> memref<8x128xf32, #tpu.memory_space<vmem>>
        tpu.wait_dma2 semaphore(%arg12 : memref<!tpu.dma_semaphore, #tpu.memory_space<semaphore_mem>>) src(%dma_wait3A_691 : memref<8x128xf32, #tpu.memory_space<vmem>>) dst(%dma_wait3A_687 : memref<8x128xf32, #tpu.memory_space<hbm>>)
        %mul3A_692 = arith.constant 128 : i32
        %mul3A_693 = arith.muli %add3A, %mul3A_692 : i32
        %dma_wait3A_694 = arith.constant 3 : i32
        %dma_wait3A_695 = arith.constant 0 : i32
        %dma_wait3A_696 = arith.constant 0 : i32
        %dma_wait3A_697 = arith.constant 0 : i32
        %dma_wait3A_698 = tpu.memref_slice %arg8[%dma_wait3A_694, %dma_wait3A_696, %dma_wait3A_697] : memref<8x8x128xf32, #tpu.memory_space<vmem>> -> memref<1x8x128xf32, #tpu.memory_space<vmem>>
        %dma_wait3A_699 = tpu.memref_squeeze %dma_wait3A_698 : memref<1x8x128xf32, #tpu.memory_space<vmem>> -> memref<8x128xf32, #tpu.memory_space<vmem>>
        %dma_wait3A_700 = arith.constant 24 : i32
        %dma_wait3A_701 = tpu.memref_slice %arg4[%dma_wait3A_695, %dma_wait3A_700, %mul3A_693] : memref<50x64x4096xf32, #tpu.memory_space<hbm>> -> memref<1x8x128xf32, #tpu.memory_space<hbm>>
        %dma_wait3A_702 = tpu.memref_squeeze %dma_wait3A_701 : memref<1x8x128xf32, #tpu.memory_space<hbm>> -> memref<8x128xf32, #tpu.memory_space<hbm>>
        %dma_wait3A_703 = arith.constant 24 : i32
        %dma_wait3A_704 = tpu.memref_slice %arg4[%dma_wait3A_695, %dma_wait3A_703, %mul3A_693] : memref<50x64x4096xf32, #tpu.memory_space<hbm>> -> memref<1x8x128xf32, #tpu.memory_space<hbm>>
        %dma_wait3A_705 = tpu.memref_squeeze %dma_wait3A_704 : memref<1x8x128xf32, #tpu.memory_space<hbm>> -> memref<8x128xf32, #tpu.memory_space<hbm>>
        %dma_wait3A_706 = arith.constant 0 : i32
        %dma_wait3A_707 = arith.constant 0 : i32
        %dma_wait3A_708 = tpu.memref_slice %arg8[%dma_wait3A_694, %dma_wait3A_706, %dma_wait3A_707] : memref<8x8x128xf32, #tpu.memory_space<vmem>> -> memref<1x8x128xf32, #tpu.memory_space<vmem>>
        %dma_wait3A_709 = tpu.memref_squeeze %dma_wait3A_708 : memref<1x8x128xf32, #tpu.memory_space<vmem>> -> memref<8x128xf32, #tpu.memory_space<vmem>>
        tpu.wait_dma2 semaphore(%arg12 : memref<!tpu.dma_semaphore, #tpu.memory_space<semaphore_mem>>) src(%dma_wait3A_709 : memref<8x128xf32, #tpu.memory_space<vmem>>) dst(%dma_wait3A_705 : memref<8x128xf32, #tpu.memory_space<hbm>>)
        %mul3A_710 = arith.constant 128 : i32
        %mul3A_711 = arith.muli %add3A, %mul3A_710 : i32
        %dma_wait3A_712 = arith.constant 4 : i32
        %dma_wait3A_713 = arith.constant 0 : i32
        %dma_wait3A_714 = arith.constant 0 : i32
        %dma_wait3A_715 = arith.constant 0 : i32
        %dma_wait3A_716 = tpu.memref_slice %arg8[%dma_wait3A_712, %dma_wait3A_714, %dma_wait3A_715] : memref<8x8x128xf32, #tpu.memory_space<vmem>> -> memref<1x8x128xf32, #tpu.memory_space<vmem>>
        %dma_wait3A_717 = tpu.memref_squeeze %dma_wait3A_716 : memref<1x8x128xf32, #tpu.memory_space<vmem>> -> memref<8x128xf32, #tpu.memory_space<vmem>>
        %dma_wait3A_718 = arith.constant 32 : i32
        %dma_wait3A_719 = tpu.memref_slice %arg4[%dma_wait3A_713, %dma_wait3A_718, %mul3A_711] : memref<50x64x4096xf32, #tpu.memory_space<hbm>> -> memref<1x8x128xf32, #tpu.memory_space<hbm>>
        %dma_wait3A_720 = tpu.memref_squeeze %dma_wait3A_719 : memref<1x8x128xf32, #tpu.memory_space<hbm>> -> memref<8x128xf32, #tpu.memory_space<hbm>>
        %dma_wait3A_721 = arith.constant 32 : i32
        %dma_wait3A_722 = tpu.memref_slice %arg4[%dma_wait3A_713, %dma_wait3A_721, %mul3A_711] : memref<50x64x4096xf32, #tpu.memory_space<hbm>> -> memref<1x8x128xf32, #tpu.memory_space<hbm>>
        %dma_wait3A_723 = tpu.memref_squeeze %dma_wait3A_722 : memref<1x8x128xf32, #tpu.memory_space<hbm>> -> memref<8x128xf32, #tpu.memory_space<hbm>>
        %dma_wait3A_724 = arith.constant 0 : i32
        %dma_wait3A_725 = arith.constant 0 : i32
        %dma_wait3A_726 = tpu.memref_slice %arg8[%dma_wait3A_712, %dma_wait3A_724, %dma_wait3A_725] : memref<8x8x128xf32, #tpu.memory_space<vmem>> -> memref<1x8x128xf32, #tpu.memory_space<vmem>>
        %dma_wait3A_727 = tpu.memref_squeeze %dma_wait3A_726 : memref<1x8x128xf32, #tpu.memory_space<vmem>> -> memref<8x128xf32, #tpu.memory_space<vmem>>
        tpu.wait_dma2 semaphore(%arg12 : memref<!tpu.dma_semaphore, #tpu.memory_space<semaphore_mem>>) src(%dma_wait3A_727 : memref<8x128xf32, #tpu.memory_space<vmem>>) dst(%dma_wait3A_723 : memref<8x128xf32, #tpu.memory_space<hbm>>)
        %mul3A_728 = arith.constant 128 : i32
        %mul3A_729 = arith.muli %add3A, %mul3A_728 : i32
        %dma_wait3A_730 = arith.constant 5 : i32
        %dma_wait3A_731 = arith.constant 0 : i32
        %dma_wait3A_732 = arith.constant 0 : i32
        %dma_wait3A_733 = arith.constant 0 : i32
        %dma_wait3A_734 = tpu.memref_slice %arg8[%dma_wait3A_730, %dma_wait3A_732, %dma_wait3A_733] : memref<8x8x128xf32, #tpu.memory_space<vmem>> -> memref<1x8x128xf32, #tpu.memory_space<vmem>>
        %dma_wait3A_735 = tpu.memref_squeeze %dma_wait3A_734 : memref<1x8x128xf32, #tpu.memory_space<vmem>> -> memref<8x128xf32, #tpu.memory_space<vmem>>
        %dma_wait3A_736 = arith.constant 40 : i32
        %dma_wait3A_737 = tpu.memref_slice %arg4[%dma_wait3A_731, %dma_wait3A_736, %mul3A_729] : memref<50x64x4096xf32, #tpu.memory_space<hbm>> -> memref<1x8x128xf32, #tpu.memory_space<hbm>>
        %dma_wait3A_738 = tpu.memref_squeeze %dma_wait3A_737 : memref<1x8x128xf32, #tpu.memory_space<hbm>> -> memref<8x128xf32, #tpu.memory_space<hbm>>
        %dma_wait3A_739 = arith.constant 40 : i32
        %dma_wait3A_740 = tpu.memref_slice %arg4[%dma_wait3A_731, %dma_wait3A_739, %mul3A_729] : memref<50x64x4096xf32, #tpu.memory_space<hbm>> -> memref<1x8x128xf32, #tpu.memory_space<hbm>>
        %dma_wait3A_741 = tpu.memref_squeeze %dma_wait3A_740 : memref<1x8x128xf32, #tpu.memory_space<hbm>> -> memref<8x128xf32, #tpu.memory_space<hbm>>
        %dma_wait3A_742 = arith.constant 0 : i32
        %dma_wait3A_743 = arith.constant 0 : i32
        %dma_wait3A_744 = tpu.memref_slice %arg8[%dma_wait3A_730, %dma_wait3A_742, %dma_wait3A_743] : memref<8x8x128xf32, #tpu.memory_space<vmem>> -> memref<1x8x128xf32, #tpu.memory_space<vmem>>
        %dma_wait3A_745 = tpu.memref_squeeze %dma_wait3A_744 : memref<1x8x128xf32, #tpu.memory_space<vmem>> -> memref<8x128xf32, #tpu.memory_space<vmem>>
        tpu.wait_dma2 semaphore(%arg12 : memref<!tpu.dma_semaphore, #tpu.memory_space<semaphore_mem>>) src(%dma_wait3A_745 : memref<8x128xf32, #tpu.memory_space<vmem>>) dst(%dma_wait3A_741 : memref<8x128xf32, #tpu.memory_space<hbm>>)
        %mul3A_746 = arith.constant 128 : i32
        %mul3A_747 = arith.muli %add3A, %mul3A_746 : i32
        %dma_wait3A_748 = arith.constant 6 : i32
        %dma_wait3A_749 = arith.constant 0 : i32
        %dma_wait3A_750 = arith.constant 0 : i32
        %dma_wait3A_751 = arith.constant 0 : i32
        %dma_wait3A_752 = tpu.memref_slice %arg8[%dma_wait3A_748, %dma_wait3A_750, %dma_wait3A_751] : memref<8x8x128xf32, #tpu.memory_space<vmem>> -> memref<1x8x128xf32, #tpu.memory_space<vmem>>
        %dma_wait3A_753 = tpu.memref_squeeze %dma_wait3A_752 : memref<1x8x128xf32, #tpu.memory_space<vmem>> -> memref<8x128xf32, #tpu.memory_space<vmem>>
        %dma_wait3A_754 = arith.constant 48 : i32
        %dma_wait3A_755 = tpu.memref_slice %arg4[%dma_wait3A_749, %dma_wait3A_754, %mul3A_747] : memref<50x64x4096xf32, #tpu.memory_space<hbm>> -> memref<1x8x128xf32, #tpu.memory_space<hbm>>
        %dma_wait3A_756 = tpu.memref_squeeze %dma_wait3A_755 : memref<1x8x128xf32, #tpu.memory_space<hbm>> -> memref<8x128xf32, #tpu.memory_space<hbm>>
        %dma_wait3A_757 = arith.constant 48 : i32
        %dma_wait3A_758 = tpu.memref_slice %arg4[%dma_wait3A_749, %dma_wait3A_757, %mul3A_747] : memref<50x64x4096xf32, #tpu.memory_space<hbm>> -> memref<1x8x128xf32, #tpu.memory_space<hbm>>
        %dma_wait3A_759 = tpu.memref_squeeze %dma_wait3A_758 : memref<1x8x128xf32, #tpu.memory_space<hbm>> -> memref<8x128xf32, #tpu.memory_space<hbm>>
        %dma_wait3A_760 = arith.constant 0 : i32
        %dma_wait3A_761 = arith.constant 0 : i32
        %dma_wait3A_762 = tpu.memref_slice %arg8[%dma_wait3A_748, %dma_wait3A_760, %dma_wait3A_761] : memref<8x8x128xf32, #tpu.memory_space<vmem>> -> memref<1x8x128xf32, #tpu.memory_space<vmem>>
        %dma_wait3A_763 = tpu.memref_squeeze %dma_wait3A_762 : memref<1x8x128xf32, #tpu.memory_space<vmem>> -> memref<8x128xf32, #tpu.memory_space<vmem>>
        tpu.wait_dma2 semaphore(%arg12 : memref<!tpu.dma_semaphore, #tpu.memory_space<semaphore_mem>>) src(%dma_wait3A_763 : memref<8x128xf32, #tpu.memory_space<vmem>>) dst(%dma_wait3A_759 : memref<8x128xf32, #tpu.memory_space<hbm>>)
        %mul3A_764 = arith.constant 128 : i32
        %mul3A_765 = arith.muli %add3A, %mul3A_764 : i32
        %dma_wait3A_766 = arith.constant 7 : i32
        %dma_wait3A_767 = arith.constant 0 : i32
        %dma_wait3A_768 = arith.constant 0 : i32
        %dma_wait3A_769 = arith.constant 0 : i32
        %dma_wait3A_770 = tpu.memref_slice %arg8[%dma_wait3A_766, %dma_wait3A_768, %dma_wait3A_769] : memref<8x8x128xf32, #tpu.memory_space<vmem>> -> memref<1x8x128xf32, #tpu.memory_space<vmem>>
        %dma_wait3A_771 = tpu.memref_squeeze %dma_wait3A_770 : memref<1x8x128xf32, #tpu.memory_space<vmem>> -> memref<8x128xf32, #tpu.memory_space<vmem>>
        %dma_wait3A_772 = arith.constant 56 : i32
        %dma_wait3A_773 = tpu.memref_slice %arg4[%dma_wait3A_767, %dma_wait3A_772, %mul3A_765] : memref<50x64x4096xf32, #tpu.memory_space<hbm>> -> memref<1x8x128xf32, #tpu.memory_space<hbm>>
        %dma_wait3A_774 = tpu.memref_squeeze %dma_wait3A_773 : memref<1x8x128xf32, #tpu.memory_space<hbm>> -> memref<8x128xf32, #tpu.memory_space<hbm>>
        %dma_wait3A_775 = arith.constant 56 : i32
        %dma_wait3A_776 = tpu.memref_slice %arg4[%dma_wait3A_767, %dma_wait3A_775, %mul3A_765] : memref<50x64x4096xf32, #tpu.memory_space<hbm>> -> memref<1x8x128xf32, #tpu.memory_space<hbm>>
        %dma_wait3A_777 = tpu.memref_squeeze %dma_wait3A_776 : memref<1x8x128xf32, #tpu.memory_space<hbm>> -> memref<8x128xf32, #tpu.memory_space<hbm>>
        %dma_wait3A_778 = arith.constant 0 : i32
        %dma_wait3A_779 = arith.constant 0 : i32
        %dma_wait3A_780 = tpu.memref_slice %arg8[%dma_wait3A_766, %dma_wait3A_778, %dma_wait3A_779] : memref<8x8x128xf32, #tpu.memory_space<vmem>> -> memref<1x8x128xf32, #tpu.memory_space<vmem>>
        %dma_wait3A_781 = tpu.memref_squeeze %dma_wait3A_780 : memref<1x8x128xf32, #tpu.memory_space<vmem>> -> memref<8x128xf32, #tpu.memory_space<vmem>>
        tpu.wait_dma2 semaphore(%arg12 : memref<!tpu.dma_semaphore, #tpu.memory_space<semaphore_mem>>) src(%dma_wait3A_781 : memref<8x128xf32, #tpu.memory_space<vmem>>) dst(%dma_wait3A_777 : memref<8x128xf32, #tpu.memory_space<hbm>>)
      } else {
      }
      %parallel_loop3A = arith.constant 0 : i32
      %parallel_loop3A_343 = arith.constant 64 : i32
      %parallel_loop3A_344 = arith.constant 1 : i32
      scf.for %parallel_loop3A_638 = %parallel_loop3A to %parallel_loop3A_343 step %parallel_loop3A_344  : i32 {
        %parallel_loop3A_639 = vector.broadcast %parallel_loop3A_638 : i32 to vector<16xi32>
        %parallel_loop3A_640 = tpu.vector_load_idx %arg6[%add3A_3, %parallel_loop3A_639] : memref<128x128xf32, #tpu.memory_space<vmem>>[vector<16xi32>, vector<16xi32>], vector<16xf32>,
        %parallel_loop3A_641 = tpu.memref_reshape %arg8 : memref<8x8x128xf32, #tpu.memory_space<vmem>> -> memref<64x128xf32, #tpu.memory_space<vmem>>
        %parallel_loop3A_642 = arith.index_cast %parallel_loop3A_638 : i32 to index
        %parallel_loop3A_643 = arith.constant 0 : index
        %parallel_loop3A_644 = tpu.vector_load %parallel_loop3A_641[%parallel_loop3A_642, %parallel_loop3A_643] {strides = array<i32>} : memref<64x128xf32, #tpu.memory_space<vmem>>, vector<16xf32>,
        tpu.vector_store %parallel_loop3A_641[%parallel_loop3A_642, %parallel_loop3A_643], %parallel_loop3A_640 {strides = array<i32>} : memref<64x128xf32, #tpu.memory_space<vmem>>, vector<16xf32>,
        %parallel_loop3A_645 = tpu.vector_load_idx %arg6[%add3A_6, %parallel_loop3A_639] : memref<128x128xf32, #tpu.memory_space<vmem>>[vector<16xi32>, vector<16xi32>], vector<16xf32>,
        %parallel_loop3A_646 = tpu.memref_reshape %arg8 : memref<8x8x128xf32, #tpu.memory_space<vmem>> -> memref<64x128xf32, #tpu.memory_space<vmem>>
        %parallel_loop3A_647 = arith.index_cast %parallel_loop3A_638 : i32 to index
        %parallel_loop3A_648 = arith.constant 16 : index
        %parallel_loop3A_649 = tpu.vector_load %parallel_loop3A_646[%parallel_loop3A_647, %parallel_loop3A_648] {strides = array<i32>} : memref<64x128xf32, #tpu.memory_space<vmem>>, vector<16xf32>,
        tpu.vector_store %parallel_loop3A_646[%parallel_loop3A_647, %parallel_loop3A_648], %parallel_loop3A_645 {strides = array<i32>} : memref<64x128xf32, #tpu.memory_space<vmem>>, vector<16xf32>,
        %parallel_loop3A_650 = tpu.vector_load_idx %arg6[%add3A_9, %parallel_loop3A_639] : memref<128x128xf32, #tpu.memory_space<vmem>>[vector<16xi32>, vector<16xi32>], vector<16xf32>,
        %parallel_loop3A_651 = tpu.memref_reshape %arg8 : memref<8x8x128xf32, #tpu.memory_space<vmem>> -> memref<64x128xf32, #tpu.memory_space<vmem>>
        %parallel_loop3A_652 = arith.index_cast %parallel_loop3A_638 : i32 to index
        %parallel_loop3A_653 = arith.constant 32 : index
        %parallel_loop3A_654 = tpu.vector_load %parallel_loop3A_651[%parallel_loop3A_652, %parallel_loop3A_653] {strides = array<i32>} : memref<64x128xf32, #tpu.memory_space<vmem>>, vector<16xf32>,
        tpu.vector_store %parallel_loop3A_651[%parallel_loop3A_652, %parallel_loop3A_653], %parallel_loop3A_650 {strides = array<i32>} : memref<64x128xf32, #tpu.memory_space<vmem>>, vector<16xf32>,
        %parallel_loop3A_655 = tpu.vector_load_idx %arg6[%add3A_12, %parallel_loop3A_639] : memref<128x128xf32, #tpu.memory_space<vmem>>[vector<16xi32>, vector<16xi32>], vector<16xf32>,
        %parallel_loop3A_656 = tpu.memref_reshape %arg8 : memref<8x8x128xf32, #tpu.memory_space<vmem>> -> memref<64x128xf32, #tpu.memory_space<vmem>>
        %parallel_loop3A_657 = arith.index_cast %parallel_loop3A_638 : i32 to index
        %parallel_loop3A_658 = arith.constant 48 : index
        %parallel_loop3A_659 = tpu.vector_load %parallel_loop3A_656[%parallel_loop3A_657, %parallel_loop3A_658] {strides = array<i32>} : memref<64x128xf32, #tpu.memory_space<vmem>>, vector<16xf32>,
        tpu.vector_store %parallel_loop3A_656[%parallel_loop3A_657, %parallel_loop3A_658], %parallel_loop3A_655 {strides = array<i32>} : memref<64x128xf32, #tpu.memory_space<vmem>>, vector<16xf32>,
        %parallel_loop3A_660 = tpu.vector_load_idx %arg6[%add3A_15, %parallel_loop3A_639] : memref<128x128xf32, #tpu.memory_space<vmem>>[vector<16xi32>, vector<16xi32>], vector<16xf32>,
        %parallel_loop3A_661 = tpu.memref_reshape %arg8 : memref<8x8x128xf32, #tpu.memory_space<vmem>> -> memref<64x128xf32, #tpu.memory_space<vmem>>
        %parallel_loop3A_662 = arith.index_cast %parallel_loop3A_638 : i32 to index
        %parallel_loop3A_663 = arith.constant 64 : index
        %parallel_loop3A_664 = tpu.vector_load %parallel_loop3A_661[%parallel_loop3A_662, %parallel_loop3A_663] {strides = array<i32>} : memref<64x128xf32, #tpu.memory_space<vmem>>, vector<16xf32>,
        tpu.vector_store %parallel_loop3A_661[%parallel_loop3A_662, %parallel_loop3A_663], %parallel_loop3A_660 {strides = array<i32>} : memref<64x128xf32, #tpu.memory_space<vmem>>, vector<16xf32>,
        %parallel_loop3A_665 = tpu.vector_load_idx %arg6[%add3A_18, %parallel_loop3A_639] : memref<128x128xf32, #tpu.memory_space<vmem>>[vector<16xi32>, vector<16xi32>], vector<16xf32>,
        %parallel_loop3A_666 = tpu.memref_reshape %arg8 : memref<8x8x128xf32, #tpu.memory_space<vmem>> -> memref<64x128xf32, #tpu.memory_space<vmem>>
        %parallel_loop3A_667 = arith.index_cast %parallel_loop3A_638 : i32 to index
        %parallel_loop3A_668 = arith.constant 80 : index
        %parallel_loop3A_669 = tpu.vector_load %parallel_loop3A_666[%parallel_loop3A_667, %parallel_loop3A_668] {strides = array<i32>} : memref<64x128xf32, #tpu.memory_space<vmem>>, vector<16xf32>,
        tpu.vector_store %parallel_loop3A_666[%parallel_loop3A_667, %parallel_loop3A_668], %parallel_loop3A_665 {strides = array<i32>} : memref<64x128xf32, #tpu.memory_space<vmem>>, vector<16xf32>,
        %parallel_loop3A_670 = tpu.vector_load_idx %arg6[%add3A_21, %parallel_loop3A_639] : memref<128x128xf32, #tpu.memory_space<vmem>>[vector<16xi32>, vector<16xi32>], vector<16xf32>,
        %parallel_loop3A_671 = tpu.memref_reshape %arg8 : memref<8x8x128xf32, #tpu.memory_space<vmem>> -> memref<64x128xf32, #tpu.memory_space<vmem>>
        %parallel_loop3A_672 = arith.index_cast %parallel_loop3A_638 : i32 to index
        %parallel_loop3A_673 = arith.constant 96 : index
        %parallel_loop3A_674 = tpu.vector_load %parallel_loop3A_671[%parallel_loop3A_672, %parallel_loop3A_673] {strides = array<i32>} : memref<64x128xf32, #tpu.memory_space<vmem>>, vector<16xf32>,
        tpu.vector_store %parallel_loop3A_671[%parallel_loop3A_672, %parallel_loop3A_673], %parallel_loop3A_670 {strides = array<i32>} : memref<64x128xf32, #tpu.memory_space<vmem>>, vector<16xf32>,
        %parallel_loop3A_675 = tpu.vector_load_idx %arg6[%add3A_24, %parallel_loop3A_639] : memref<128x128xf32, #tpu.memory_space<vmem>>[vector<16xi32>, vector<16xi32>], vector<16xf32>,
        %parallel_loop3A_676 = tpu.memref_reshape %arg8 : memref<8x8x128xf32, #tpu.memory_space<vmem>> -> memref<64x128xf32, #tpu.memory_space<vmem>>
        %parallel_loop3A_677 = arith.index_cast %parallel_loop3A_638 : i32 to index
        %parallel_loop3A_678 = arith.constant 112 : index
        %parallel_loop3A_679 = tpu.vector_load %parallel_loop3A_676[%parallel_loop3A_677, %parallel_loop3A_678] {strides = array<i32>} : memref<64x128xf32, #tpu.memory_space<vmem>>, vector<16xf32>,
        tpu.vector_store %parallel_loop3A_676[%parallel_loop3A_677, %parallel_loop3A_678], %parallel_loop3A_675 {strides = array<i32>} : memref<64x128xf32, #tpu.memory_space<vmem>>, vector<16xf32>,
      } {sc.loop_unroll_factor = 4 : i64, sc.parallel_access}
      %mul3A_345 = arith.constant 128 : i32
      %mul3A_346 = arith.muli %add3A, %mul3A_345 : i32
      %dma_start3A_347 = arith.constant 0 : i32
      %dma_start3A_348 = arith.constant 0 : i32
      %dma_start3A_349 = arith.constant 0 : i32
      %dma_start3A_350 = tpu.memref_slice %arg8[%dma_start3A_347, %dma_start3A_348, %dma_start3A_349] : memref<8x8x128xf32, #tpu.memory_space<vmem>> -> memref<1x8x128xf32, #tpu.memory_space<vmem>>
      %dma_start3A_351 = tpu.memref_squeeze %dma_start3A_350 : memref<1x8x128xf32, #tpu.memory_space<vmem>> -> memref<8x128xf32, #tpu.memory_space<vmem>>
      %dma_start3A_352 = arith.constant 0 : i32
      %dma_start3A_353 = tpu.memref_slice %arg4[%mul3A_325, %dma_start3A_352, %mul3A_346] : memref<50x64x4096xf32, #tpu.memory_space<hbm>> -> memref<1x8x128xf32, #tpu.memory_space<hbm>>
      %dma_start3A_354 = tpu.memref_squeeze %dma_start3A_353 : memref<1x8x128xf32, #tpu.memory_space<hbm>> -> memref<8x128xf32, #tpu.memory_space<hbm>>
      %dma_start3A_355 = arith.constant 0 : i32
      %dma_start3A_356 = tpu.memref_slice %arg4[%mul3A_325, %dma_start3A_355, %mul3A_346] : memref<50x64x4096xf32, #tpu.memory_space<hbm>> -> memref<1x8x128xf32, #tpu.memory_space<hbm>>
      %dma_start3A_357 = tpu.memref_squeeze %dma_start3A_356 : memref<1x8x128xf32, #tpu.memory_space<hbm>> -> memref<8x128xf32, #tpu.memory_space<hbm>>
      %dma_start3A_358 = arith.constant 0 : i32
      %dma_start3A_359 = arith.constant 0 : i32
      %dma_start3A_360 = tpu.memref_slice %arg8[%dma_start3A_347, %dma_start3A_358, %dma_start3A_359] : memref<8x8x128xf32, #tpu.memory_space<vmem>> -> memref<1x8x128xf32, #tpu.memory_space<vmem>>
      %dma_start3A_361 = tpu.memref_squeeze %dma_start3A_360 : memref<1x8x128xf32, #tpu.memory_space<vmem>> -> memref<8x128xf32, #tpu.memory_space<vmem>>
      tpu.enqueue_dma source(%dma_start3A_361 : memref<8x128xf32, #tpu.memory_space<vmem>>) target(%dma_start3A_357 : memref<8x128xf32, #tpu.memory_space<hbm>>) target_semaphore(%arg12 : memref<!tpu.dma_semaphore, #tpu.memory_space<semaphore_mem>>)
      %mul3A_362 = arith.constant 128 : i32
      %mul3A_363 = arith.muli %add3A, %mul3A_362 : i32
      %dma_start3A_364 = arith.constant 1 : i32
      %dma_start3A_365 = arith.constant 0 : i32
      %dma_start3A_366 = arith.constant 0 : i32
      %dma_start3A_367 = tpu.memref_slice %arg8[%dma_start3A_364, %dma_start3A_365, %dma_start3A_366] : memref<8x8x128xf32, #tpu.memory_space<vmem>> -> memref<1x8x128xf32, #tpu.memory_space<vmem>>
      %dma_start3A_368 = tpu.memref_squeeze %dma_start3A_367 : memref<1x8x128xf32, #tpu.memory_space<vmem>> -> memref<8x128xf32, #tpu.memory_space<vmem>>
      %dma_start3A_369 = arith.constant 8 : i32
      %dma_start3A_370 = tpu.memref_slice %arg4[%mul3A_325, %dma_start3A_369, %mul3A_363] : memref<50x64x4096xf32, #tpu.memory_space<hbm>> -> memref<1x8x128xf32, #tpu.memory_space<hbm>>
      %dma_start3A_371 = tpu.memref_squeeze %dma_start3A_370 : memref<1x8x128xf32, #tpu.memory_space<hbm>> -> memref<8x128xf32, #tpu.memory_space<hbm>>
      %dma_start3A_372 = arith.constant 8 : i32
      %dma_start3A_373 = tpu.memref_slice %arg4[%mul3A_325, %dma_start3A_372, %mul3A_363] : memref<50x64x4096xf32, #tpu.memory_space<hbm>> -> memref<1x8x128xf32, #tpu.memory_space<hbm>>
      %dma_start3A_374 = tpu.memref_squeeze %dma_start3A_373 : memref<1x8x128xf32, #tpu.memory_space<hbm>> -> memref<8x128xf32, #tpu.memory_space<hbm>>
      %dma_start3A_375 = arith.constant 0 : i32
      %dma_start3A_376 = arith.constant 0 : i32
      %dma_start3A_377 = tpu.memref_slice %arg8[%dma_start3A_364, %dma_start3A_375, %dma_start3A_376] : memref<8x8x128xf32, #tpu.memory_space<vmem>> -> memref<1x8x128xf32, #tpu.memory_space<vmem>>
      %dma_start3A_378 = tpu.memref_squeeze %dma_start3A_377 : memref<1x8x128xf32, #tpu.memory_space<vmem>> -> memref<8x128xf32, #tpu.memory_space<vmem>>
      tpu.enqueue_dma source(%dma_start3A_378 : memref<8x128xf32, #tpu.memory_space<vmem>>) target(%dma_start3A_374 : memref<8x128xf32, #tpu.memory_space<hbm>>) target_semaphore(%arg12 : memref<!tpu.dma_semaphore, #tpu.memory_space<semaphore_mem>>)
      %mul3A_379 = arith.constant 128 : i32
      %mul3A_380 = arith.muli %add3A, %mul3A_379 : i32
      %dma_start3A_381 = arith.constant 2 : i32
      %dma_start3A_382 = arith.constant 0 : i32
      %dma_start3A_383 = arith.constant 0 : i32
      %dma_start3A_384 = tpu.memref_slice %arg8[%dma_start3A_381, %dma_start3A_382, %dma_start3A_383] : memref<8x8x128xf32, #tpu.memory_space<vmem>> -> memref<1x8x128xf32, #tpu.memory_space<vmem>>
      %dma_start3A_385 = tpu.memref_squeeze %dma_start3A_384 : memref<1x8x128xf32, #tpu.memory_space<vmem>> -> memref<8x128xf32, #tpu.memory_space<vmem>>
      %dma_start3A_386 = arith.constant 16 : i32
      %dma_start3A_387 = tpu.memref_slice %arg4[%mul3A_325, %dma_start3A_386, %mul3A_380] : memref<50x64x4096xf32, #tpu.memory_space<hbm>> -> memref<1x8x128xf32, #tpu.memory_space<hbm>>
      %dma_start3A_388 = tpu.memref_squeeze %dma_start3A_387 : memref<1x8x128xf32, #tpu.memory_space<hbm>> -> memref<8x128xf32, #tpu.memory_space<hbm>>
      %dma_start3A_389 = arith.constant 16 : i32
      %dma_start3A_390 = tpu.memref_slice %arg4[%mul3A_325, %dma_start3A_389, %mul3A_380] : memref<50x64x4096xf32, #tpu.memory_space<hbm>> -> memref<1x8x128xf32, #tpu.memory_space<hbm>>
      %dma_start3A_391 = tpu.memref_squeeze %dma_start3A_390 : memref<1x8x128xf32, #tpu.memory_space<hbm>> -> memref<8x128xf32, #tpu.memory_space<hbm>>
      %dma_start3A_392 = arith.constant 0 : i32
      %dma_start3A_393 = arith.constant 0 : i32
      %dma_start3A_394 = tpu.memref_slice %arg8[%dma_start3A_381, %dma_start3A_392, %dma_start3A_393] : memref<8x8x128xf32, #tpu.memory_space<vmem>> -> memref<1x8x128xf32, #tpu.memory_space<vmem>>
      %dma_start3A_395 = tpu.memref_squeeze %dma_start3A_394 : memref<1x8x128xf32, #tpu.memory_space<vmem>> -> memref<8x128xf32, #tpu.memory_space<vmem>>
      tpu.enqueue_dma source(%dma_start3A_395 : memref<8x128xf32, #tpu.memory_space<vmem>>) target(%dma_start3A_391 : memref<8x128xf32, #tpu.memory_space<hbm>>) target_semaphore(%arg12 : memref<!tpu.dma_semaphore, #tpu.memory_space<semaphore_mem>>)
      %mul3A_396 = arith.constant 128 : i32
      %mul3A_397 = arith.muli %add3A, %mul3A_396 : i32
      %dma_start3A_398 = arith.constant 3 : i32
      %dma_start3A_399 = arith.constant 0 : i32
      %dma_start3A_400 = arith.constant 0 : i32
      %dma_start3A_401 = tpu.memref_slice %arg8[%dma_start3A_398, %dma_start3A_399, %dma_start3A_400] : memref<8x8x128xf32, #tpu.memory_space<vmem>> -> memref<1x8x128xf32, #tpu.memory_space<vmem>>
      %dma_start3A_402 = tpu.memref_squeeze %dma_start3A_401 : memref<1x8x128xf32, #tpu.memory_space<vmem>> -> memref<8x128xf32, #tpu.memory_space<vmem>>
      %dma_start3A_403 = arith.constant 24 : i32
      %dma_start3A_404 = tpu.memref_slice %arg4[%mul3A_325, %dma_start3A_403, %mul3A_397] : memref<50x64x4096xf32, #tpu.memory_space<hbm>> -> memref<1x8x128xf32, #tpu.memory_space<hbm>>
      %dma_start3A_405 = tpu.memref_squeeze %dma_start3A_404 : memref<1x8x128xf32, #tpu.memory_space<hbm>> -> memref<8x128xf32, #tpu.memory_space<hbm>>
      %dma_start3A_406 = arith.constant 24 : i32
      %dma_start3A_407 = tpu.memref_slice %arg4[%mul3A_325, %dma_start3A_406, %mul3A_397] : memref<50x64x4096xf32, #tpu.memory_space<hbm>> -> memref<1x8x128xf32, #tpu.memory_space<hbm>>
      %dma_start3A_408 = tpu.memref_squeeze %dma_start3A_407 : memref<1x8x128xf32, #tpu.memory_space<hbm>> -> memref<8x128xf32, #tpu.memory_space<hbm>>
      %dma_start3A_409 = arith.constant 0 : i32
      %dma_start3A_410 = arith.constant 0 : i32
      %dma_start3A_411 = tpu.memref_slice %arg8[%dma_start3A_398, %dma_start3A_409, %dma_start3A_410] : memref<8x8x128xf32, #tpu.memory_space<vmem>> -> memref<1x8x128xf32, #tpu.memory_space<vmem>>
      %dma_start3A_412 = tpu.memref_squeeze %dma_start3A_411 : memref<1x8x128xf32, #tpu.memory_space<vmem>> -> memref<8x128xf32, #tpu.memory_space<vmem>>
      tpu.enqueue_dma source(%dma_start3A_412 : memref<8x128xf32, #tpu.memory_space<vmem>>) target(%dma_start3A_408 : memref<8x128xf32, #tpu.memory_space<hbm>>) target_semaphore(%arg12 : memref<!tpu.dma_semaphore, #tpu.memory_space<semaphore_mem>>)
      %mul3A_413 = arith.constant 128 : i32
      %mul3A_414 = arith.muli %add3A, %mul3A_413 : i32
      %dma_start3A_415 = arith.constant 4 : i32
      %dma_start3A_416 = arith.constant 0 : i32
      %dma_start3A_417 = arith.constant 0 : i32
      %dma_start3A_418 = tpu.memref_slice %arg8[%dma_start3A_415, %dma_start3A_416, %dma_start3A_417] : memref<8x8x128xf32, #tpu.memory_space<vmem>> -> memref<1x8x128xf32, #tpu.memory_space<vmem>>
      %dma_start3A_419 = tpu.memref_squeeze %dma_start3A_418 : memref<1x8x128xf32, #tpu.memory_space<vmem>> -> memref<8x128xf32, #tpu.memory_space<vmem>>
      %dma_start3A_420 = arith.constant 32 : i32
      %dma_start3A_421 = tpu.memref_slice %arg4[%mul3A_325, %dma_start3A_420, %mul3A_414] : memref<50x64x4096xf32, #tpu.memory_space<hbm>> -> memref<1x8x128xf32, #tpu.memory_space<hbm>>
      %dma_start3A_422 = tpu.memref_squeeze %dma_start3A_421 : memref<1x8x128xf32, #tpu.memory_space<hbm>> -> memref<8x128xf32, #tpu.memory_space<hbm>>
      %dma_start3A_423 = arith.constant 32 : i32
      %dma_start3A_424 = tpu.memref_slice %arg4[%mul3A_325, %dma_start3A_423, %mul3A_414] : memref<50x64x4096xf32, #tpu.memory_space<hbm>> -> memref<1x8x128xf32, #tpu.memory_space<hbm>>
      %dma_start3A_425 = tpu.memref_squeeze %dma_start3A_424 : memref<1x8x128xf32, #tpu.memory_space<hbm>> -> memref<8x128xf32, #tpu.memory_space<hbm>>
      %dma_start3A_426 = arith.constant 0 : i32
      %dma_start3A_427 = arith.constant 0 : i32
      %dma_start3A_428 = tpu.memref_slice %arg8[%dma_start3A_415, %dma_start3A_426, %dma_start3A_427] : memref<8x8x128xf32, #tpu.memory_space<vmem>> -> memref<1x8x128xf32, #tpu.memory_space<vmem>>
      %dma_start3A_429 = tpu.memref_squeeze %dma_start3A_428 : memref<1x8x128xf32, #tpu.memory_space<vmem>> -> memref<8x128xf32, #tpu.memory_space<vmem>>
      tpu.enqueue_dma source(%dma_start3A_429 : memref<8x128xf32, #tpu.memory_space<vmem>>) target(%dma_start3A_425 : memref<8x128xf32, #tpu.memory_space<hbm>>) target_semaphore(%arg12 : memref<!tpu.dma_semaphore, #tpu.memory_space<semaphore_mem>>)
      %mul3A_430 = arith.constant 128 : i32
      %mul3A_431 = arith.muli %add3A, %mul3A_430 : i32
      %dma_start3A_432 = arith.constant 5 : i32
      %dma_start3A_433 = arith.constant 0 : i32
      %dma_start3A_434 = arith.constant 0 : i32
      %dma_start3A_435 = tpu.memref_slice %arg8[%dma_start3A_432, %dma_start3A_433, %dma_start3A_434] : memref<8x8x128xf32, #tpu.memory_space<vmem>> -> memref<1x8x128xf32, #tpu.memory_space<vmem>>
      %dma_start3A_436 = tpu.memref_squeeze %dma_start3A_435 : memref<1x8x128xf32, #tpu.memory_space<vmem>> -> memref<8x128xf32, #tpu.memory_space<vmem>>
      %dma_start3A_437 = arith.constant 40 : i32
      %dma_start3A_438 = tpu.memref_slice %arg4[%mul3A_325, %dma_start3A_437, %mul3A_431] : memref<50x64x4096xf32, #tpu.memory_space<hbm>> -> memref<1x8x128xf32, #tpu.memory_space<hbm>>
      %dma_start3A_439 = tpu.memref_squeeze %dma_start3A_438 : memref<1x8x128xf32, #tpu.memory_space<hbm>> -> memref<8x128xf32, #tpu.memory_space<hbm>>
      %dma_start3A_440 = arith.constant 40 : i32
      %dma_start3A_441 = tpu.memref_slice %arg4[%mul3A_325, %dma_start3A_440, %mul3A_431] : memref<50x64x4096xf32, #tpu.memory_space<hbm>> -> memref<1x8x128xf32, #tpu.memory_space<hbm>>
      %dma_start3A_442 = tpu.memref_squeeze %dma_start3A_441 : memref<1x8x128xf32, #tpu.memory_space<hbm>> -> memref<8x128xf32, #tpu.memory_space<hbm>>
      %dma_start3A_443 = arith.constant 0 : i32
      %dma_start3A_444 = arith.constant 0 : i32
      %dma_start3A_445 = tpu.memref_slice %arg8[%dma_start3A_432, %dma_start3A_443, %dma_start3A_444] : memref<8x8x128xf32, #tpu.memory_space<vmem>> -> memref<1x8x128xf32, #tpu.memory_space<vmem>>
      %dma_start3A_446 = tpu.memref_squeeze %dma_start3A_445 : memref<1x8x128xf32, #tpu.memory_space<vmem>> -> memref<8x128xf32, #tpu.memory_space<vmem>>
      tpu.enqueue_dma source(%dma_start3A_446 : memref<8x128xf32, #tpu.memory_space<vmem>>) target(%dma_start3A_442 : memref<8x128xf32, #tpu.memory_space<hbm>>) target_semaphore(%arg12 : memref<!tpu.dma_semaphore, #tpu.memory_space<semaphore_mem>>)
      %mul3A_447 = arith.constant 128 : i32
      %mul3A_448 = arith.muli %add3A, %mul3A_447 : i32
      %dma_start3A_449 = arith.constant 6 : i32
      %dma_start3A_450 = arith.constant 0 : i32
      %dma_start3A_451 = arith.constant 0 : i32
      %dma_start3A_452 = tpu.memref_slice %arg8[%dma_start3A_449, %dma_start3A_450, %dma_start3A_451] : memref<8x8x128xf32, #tpu.memory_space<vmem>> -> memref<1x8x128xf32, #tpu.memory_space<vmem>>
      %dma_start3A_453 = tpu.memref_squeeze %dma_start3A_452 : memref<1x8x128xf32, #tpu.memory_space<vmem>> -> memref<8x128xf32, #tpu.memory_space<vmem>>
      %dma_start3A_454 = arith.constant 48 : i32
      %dma_start3A_455 = tpu.memref_slice %arg4[%mul3A_325, %dma_start3A_454, %mul3A_448] : memref<50x64x4096xf32, #tpu.memory_space<hbm>> -> memref<1x8x128xf32, #tpu.memory_space<hbm>>
      %dma_start3A_456 = tpu.memref_squeeze %dma_start3A_455 : memref<1x8x128xf32, #tpu.memory_space<hbm>> -> memref<8x128xf32, #tpu.memory_space<hbm>>
      %dma_start3A_457 = arith.constant 48 : i32
      %dma_start3A_458 = tpu.memref_slice %arg4[%mul3A_325, %dma_start3A_457, %mul3A_448] : memref<50x64x4096xf32, #tpu.memory_space<hbm>> -> memref<1x8x128xf32, #tpu.memory_space<hbm>>
      %dma_start3A_459 = tpu.memref_squeeze %dma_start3A_458 : memref<1x8x128xf32, #tpu.memory_space<hbm>> -> memref<8x128xf32, #tpu.memory_space<hbm>>
      %dma_start3A_460 = arith.constant 0 : i32
      %dma_start3A_461 = arith.constant 0 : i32
      %dma_start3A_462 = tpu.memref_slice %arg8[%dma_start3A_449, %dma_start3A_460, %dma_start3A_461] : memref<8x8x128xf32, #tpu.memory_space<vmem>> -> memref<1x8x128xf32, #tpu.memory_space<vmem>>
      %dma_start3A_463 = tpu.memref_squeeze %dma_start3A_462 : memref<1x8x128xf32, #tpu.memory_space<vmem>> -> memref<8x128xf32, #tpu.memory_space<vmem>>
      tpu.enqueue_dma source(%dma_start3A_463 : memref<8x128xf32, #tpu.memory_space<vmem>>) target(%dma_start3A_459 : memref<8x128xf32, #tpu.memory_space<hbm>>) target_semaphore(%arg12 : memref<!tpu.dma_semaphore, #tpu.memory_space<semaphore_mem>>)
      %mul3A_464 = arith.constant 128 : i32
      %mul3A_465 = arith.muli %add3A, %mul3A_464 : i32
      %dma_start3A_466 = arith.constant 7 : i32
      %dma_start3A_467 = arith.constant 0 : i32
      %dma_start3A_468 = arith.constant 0 : i32
      %dma_start3A_469 = tpu.memref_slice %arg8[%dma_start3A_466, %dma_start3A_467, %dma_start3A_468] : memref<8x8x128xf32, #tpu.memory_space<vmem>> -> memref<1x8x128xf32, #tpu.memory_space<vmem>>
      %dma_start3A_470 = tpu.memref_squeeze %dma_start3A_469 : memref<1x8x128xf32, #tpu.memory_space<vmem>> -> memref<8x128xf32, #tpu.memory_space<vmem>>
      %dma_start3A_471 = arith.constant 56 : i32
      %dma_start3A_472 = tpu.memref_slice %arg4[%mul3A_325, %dma_start3A_471, %mul3A_465] : memref<50x64x4096xf32, #tpu.memory_space<hbm>> -> memref<1x8x128xf32, #tpu.memory_space<hbm>>
      %dma_start3A_473 = tpu.memref_squeeze %dma_start3A_472 : memref<1x8x128xf32, #tpu.memory_space<hbm>> -> memref<8x128xf32, #tpu.memory_space<hbm>>
      %dma_start3A_474 = arith.constant 56 : i32
      %dma_start3A_475 = tpu.memref_slice %arg4[%mul3A_325, %dma_start3A_474, %mul3A_465] : memref<50x64x4096xf32, #tpu.memory_space<hbm>> -> memref<1x8x128xf32, #tpu.memory_space<hbm>>
      %dma_start3A_476 = tpu.memref_squeeze %dma_start3A_475 : memref<1x8x128xf32, #tpu.memory_space<hbm>> -> memref<8x128xf32, #tpu.memory_space<hbm>>
      %dma_start3A_477 = arith.constant 0 : i32
      %dma_start3A_478 = arith.constant 0 : i32
      %dma_start3A_479 = tpu.memref_slice %arg8[%dma_start3A_466, %dma_start3A_477, %dma_start3A_478] : memref<8x8x128xf32, #tpu.memory_space<vmem>> -> memref<1x8x128xf32, #tpu.memory_space<vmem>>
      %dma_start3A_480 = tpu.memref_squeeze %dma_start3A_479 : memref<1x8x128xf32, #tpu.memory_space<vmem>> -> memref<8x128xf32, #tpu.memory_space<vmem>>
      tpu.enqueue_dma source(%dma_start3A_480 : memref<8x128xf32, #tpu.memory_space<vmem>>) target(%dma_start3A_476 : memref<8x128xf32, #tpu.memory_space<hbm>>) target_semaphore(%arg12 : memref<!tpu.dma_semaphore, #tpu.memory_space<semaphore_mem>>)
      %lt3A = arith.constant 24 : i32
      %lt3A_481 = arith.cmpi slt, %scan3A_323, %lt3A : i32
      %convert_element_type3A_482 = arith.extui %lt3A_481 : i1 to i32
      %cond3A_483 = arith.constant 0 : i32
      %cond3A_484 = arith.cmpi ne, %convert_element_type3A_482, %cond3A_483 : i32
      scf.if %cond3A_484 {
        %add3A_638 = arith.constant 2 : i32
        %add3A_639 = arith.addi %mul3A_325, %add3A_638 : i32
        %dma_start3A_640 = arith.constant 0 : i32
        %dma_start3A_641 = tpu.memref_slice %arg5[%add3A_639, %dma_start3A_640] : memref<50x128xi32, #tpu.memory_space<vmem>> -> memref<1x128xi32, #tpu.memory_space<vmem>>
        %dma_start3A_642 = tpu.memref_squeeze %dma_start3A_641 : memref<1x128xi32, #tpu.memory_space<vmem>> -> memref<128xi32, #tpu.memory_space<vmem>>
        %dma_start3A_643 = arith.constant 0 : i32
        %dma_start3A_644 = arith.constant 0 : i32
        %dma_start3A_645 = tpu.memref_slice %arg3[%dma_start3A_643, %dma_start3A_644] : memref<1000000x128xf32, #tpu.memory_space<hbm>> -> memref<1000000x128xf32, #tpu.memory_space<hbm>>
        tpu.enqueue_indirect_dma source(%dma_start3A_645 : memref<1000000x128xf32, #tpu.memory_space<hbm>>) target(%arg6 : memref<128x128xf32, #tpu.memory_space<vmem>>) offsets(%dma_start3A_642 : memref<128xi32, #tpu.memory_space<vmem>>) semaphore(%arg10 : memref<!tpu.dma_semaphore, #tpu.memory_space<semaphore_mem>>)
      } else {
      }
      %dma_wait3A_485 = arith.constant 0 : i32
      %dma_wait3A_486 = arith.constant 0 : i32
      %dma_wait3A_487 = tpu.memref_slice %arg5[%dma_wait3A_485, %dma_wait3A_486] : memref<50x128xi32, #tpu.memory_space<vmem>> -> memref<1x128xi32, #tpu.memory_space<vmem>>
      %dma_wait3A_488 = tpu.memref_squeeze %dma_wait3A_487 : memref<1x128xi32, #tpu.memory_space<vmem>> -> memref<128xi32, #tpu.memory_space<vmem>>
      %dma_wait3A_489 = arith.constant 0 : i32
      %dma_wait3A_490 = arith.constant 0 : i32
      %dma_wait3A_491 = tpu.memref_slice %arg3[%dma_wait3A_489, %dma_wait3A_490] : memref<1000000x128xf32, #tpu.memory_space<hbm>> -> memref<1000000x128xf32, #tpu.memory_space<hbm>>
      tpu.wait_indirect_dma semaphore(%arg11 : memref<!tpu.dma_semaphore, #tpu.memory_space<semaphore_mem>>) src(%dma_wait3A_491 : memref<1000000x128xf32, #tpu.memory_space<hbm>>) dst(%arg7 : memref<128x128xf32, #tpu.memory_space<vmem>>)
      %gt3A_492 = arith.constant 0 : i32
      %gt3A_493 = arith.cmpi sgt, %scan3A_323, %gt3A_492 : i32
      %convert_element_type3A_494 = arith.extui %gt3A_493 : i1 to i32
      %cond3A_495 = arith.constant 0 : i32
      %cond3A_496 = arith.cmpi ne, %convert_element_type3A_494, %cond3A_495 : i32
      scf.if %cond3A_496 {
        %mul3A_638 = arith.constant 128 : i32
        %mul3A_639 = arith.muli %add3A, %mul3A_638 : i32
        %dma_wait3A_640 = arith.constant 0 : i32
        %dma_wait3A_641 = arith.constant 0 : i32
        %dma_wait3A_642 = arith.constant 0 : i32
        %dma_wait3A_643 = arith.constant 0 : i32
        %dma_wait3A_644 = tpu.memref_slice %arg9[%dma_wait3A_640, %dma_wait3A_642, %dma_wait3A_643] : memref<8x8x128xf32, #tpu.memory_space<vmem>> -> memref<1x8x128xf32, #tpu.memory_space<vmem>>
        %dma_wait3A_645 = tpu.memref_squeeze %dma_wait3A_644 : memref<1x8x128xf32, #tpu.memory_space<vmem>> -> memref<8x128xf32, #tpu.memory_space<vmem>>
        %dma_wait3A_646 = arith.constant 0 : i32
        %dma_wait3A_647 = tpu.memref_slice %arg4[%dma_wait3A_641, %dma_wait3A_646, %mul3A_639] : memref<50x64x4096xf32, #tpu.memory_space<hbm>> -> memref<1x8x128xf32, #tpu.memory_space<hbm>>
        %dma_wait3A_648 = tpu.memref_squeeze %dma_wait3A_647 : memref<1x8x128xf32, #tpu.memory_space<hbm>> -> memref<8x128xf32, #tpu.memory_space<hbm>>
        %dma_wait3A_649 = arith.constant 0 : i32
        %dma_wait3A_650 = tpu.memref_slice %arg4[%dma_wait3A_641, %dma_wait3A_649, %mul3A_639] : memref<50x64x4096xf32, #tpu.memory_space<hbm>> -> memref<1x8x128xf32, #tpu.memory_space<hbm>>
        %dma_wait3A_651 = tpu.memref_squeeze %dma_wait3A_650 : memref<1x8x128xf32, #tpu.memory_space<hbm>> -> memref<8x128xf32, #tpu.memory_space<hbm>>
        %dma_wait3A_652 = arith.constant 0 : i32
        %dma_wait3A_653 = arith.constant 0 : i32
        %dma_wait3A_654 = tpu.memref_slice %arg9[%dma_wait3A_640, %dma_wait3A_652, %dma_wait3A_653] : memref<8x8x128xf32, #tpu.memory_space<vmem>> -> memref<1x8x128xf32, #tpu.memory_space<vmem>>
        %dma_wait3A_655 = tpu.memref_squeeze %dma_wait3A_654 : memref<1x8x128xf32, #tpu.memory_space<vmem>> -> memref<8x128xf32, #tpu.memory_space<vmem>>
        tpu.wait_dma2 semaphore(%arg13 : memref<!tpu.dma_semaphore, #tpu.memory_space<semaphore_mem>>) src(%dma_wait3A_655 : memref<8x128xf32, #tpu.memory_space<vmem>>) dst(%dma_wait3A_651 : memref<8x128xf32, #tpu.memory_space<hbm>>)
        %mul3A_656 = arith.constant 128 : i32
        %mul3A_657 = arith.muli %add3A, %mul3A_656 : i32
        %dma_wait3A_658 = arith.constant 1 : i32
        %dma_wait3A_659 = arith.constant 0 : i32
        %dma_wait3A_660 = arith.constant 0 : i32
        %dma_wait3A_661 = arith.constant 0 : i32
        %dma_wait3A_662 = tpu.memref_slice %arg9[%dma_wait3A_658, %dma_wait3A_660, %dma_wait3A_661] : memref<8x8x128xf32, #tpu.memory_space<vmem>> -> memref<1x8x128xf32, #tpu.memory_space<vmem>>
        %dma_wait3A_663 = tpu.memref_squeeze %dma_wait3A_662 : memref<1x8x128xf32, #tpu.memory_space<vmem>> -> memref<8x128xf32, #tpu.memory_space<vmem>>
        %dma_wait3A_664 = arith.constant 8 : i32
        %dma_wait3A_665 = tpu.memref_slice %arg4[%dma_wait3A_659, %dma_wait3A_664, %mul3A_657] : memref<50x64x4096xf32, #tpu.memory_space<hbm>> -> memref<1x8x128xf32, #tpu.memory_space<hbm>>
        %dma_wait3A_666 = tpu.memref_squeeze %dma_wait3A_665 : memref<1x8x128xf32, #tpu.memory_space<hbm>> -> memref<8x128xf32, #tpu.memory_space<hbm>>
        %dma_wait3A_667 = arith.constant 8 : i32
        %dma_wait3A_668 = tpu.memref_slice %arg4[%dma_wait3A_659, %dma_wait3A_667, %mul3A_657] : memref<50x64x4096xf32, #tpu.memory_space<hbm>> -> memref<1x8x128xf32, #tpu.memory_space<hbm>>
        %dma_wait3A_669 = tpu.memref_squeeze %dma_wait3A_668 : memref<1x8x128xf32, #tpu.memory_space<hbm>> -> memref<8x128xf32, #tpu.memory_space<hbm>>
        %dma_wait3A_670 = arith.constant 0 : i32
        %dma_wait3A_671 = arith.constant 0 : i32
        %dma_wait3A_672 = tpu.memref_slice %arg9[%dma_wait3A_658, %dma_wait3A_670, %dma_wait3A_671] : memref<8x8x128xf32, #tpu.memory_space<vmem>> -> memref<1x8x128xf32, #tpu.memory_space<vmem>>
        %dma_wait3A_673 = tpu.memref_squeeze %dma_wait3A_672 : memref<1x8x128xf32, #tpu.memory_space<vmem>> -> memref<8x128xf32, #tpu.memory_space<vmem>>
        tpu.wait_dma2 semaphore(%arg13 : memref<!tpu.dma_semaphore, #tpu.memory_space<semaphore_mem>>) src(%dma_wait3A_673 : memref<8x128xf32, #tpu.memory_space<vmem>>) dst(%dma_wait3A_669 : memref<8x128xf32, #tpu.memory_space<hbm>>)
        %mul3A_674 = arith.constant 128 : i32
        %mul3A_675 = arith.muli %add3A, %mul3A_674 : i32
        %dma_wait3A_676 = arith.constant 2 : i32
        %dma_wait3A_677 = arith.constant 0 : i32
        %dma_wait3A_678 = arith.constant 0 : i32
        %dma_wait3A_679 = arith.constant 0 : i32
        %dma_wait3A_680 = tpu.memref_slice %arg9[%dma_wait3A_676, %dma_wait3A_678, %dma_wait3A_679] : memref<8x8x128xf32, #tpu.memory_space<vmem>> -> memref<1x8x128xf32, #tpu.memory_space<vmem>>
        %dma_wait3A_681 = tpu.memref_squeeze %dma_wait3A_680 : memref<1x8x128xf32, #tpu.memory_space<vmem>> -> memref<8x128xf32, #tpu.memory_space<vmem>>
        %dma_wait3A_682 = arith.constant 16 : i32
        %dma_wait3A_683 = tpu.memref_slice %arg4[%dma_wait3A_677, %dma_wait3A_682, %mul3A_675] : memref<50x64x4096xf32, #tpu.memory_space<hbm>> -> memref<1x8x128xf32, #tpu.memory_space<hbm>>
        %dma_wait3A_684 = tpu.memref_squeeze %dma_wait3A_683 : memref<1x8x128xf32, #tpu.memory_space<hbm>> -> memref<8x128xf32, #tpu.memory_space<hbm>>
        %dma_wait3A_685 = arith.constant 16 : i32
        %dma_wait3A_686 = tpu.memref_slice %arg4[%dma_wait3A_677, %dma_wait3A_685, %mul3A_675] : memref<50x64x4096xf32, #tpu.memory_space<hbm>> -> memref<1x8x128xf32, #tpu.memory_space<hbm>>
        %dma_wait3A_687 = tpu.memref_squeeze %dma_wait3A_686 : memref<1x8x128xf32, #tpu.memory_space<hbm>> -> memref<8x128xf32, #tpu.memory_space<hbm>>
        %dma_wait3A_688 = arith.constant 0 : i32
        %dma_wait3A_689 = arith.constant 0 : i32
        %dma_wait3A_690 = tpu.memref_slice %arg9[%dma_wait3A_676, %dma_wait3A_688, %dma_wait3A_689] : memref<8x8x128xf32, #tpu.memory_space<vmem>> -> memref<1x8x128xf32, #tpu.memory_space<vmem>>
        %dma_wait3A_691 = tpu.memref_squeeze %dma_wait3A_690 : memref<1x8x128xf32, #tpu.memory_space<vmem>> -> memref<8x128xf32, #tpu.memory_space<vmem>>
        tpu.wait_dma2 semaphore(%arg13 : memref<!tpu.dma_semaphore, #tpu.memory_space<semaphore_mem>>) src(%dma_wait3A_691 : memref<8x128xf32, #tpu.memory_space<vmem>>) dst(%dma_wait3A_687 : memref<8x128xf32, #tpu.memory_space<hbm>>)
        %mul3A_692 = arith.constant 128 : i32
        %mul3A_693 = arith.muli %add3A, %mul3A_692 : i32
        %dma_wait3A_694 = arith.constant 3 : i32
        %dma_wait3A_695 = arith.constant 0 : i32
        %dma_wait3A_696 = arith.constant 0 : i32
        %dma_wait3A_697 = arith.constant 0 : i32
        %dma_wait3A_698 = tpu.memref_slice %arg9[%dma_wait3A_694, %dma_wait3A_696, %dma_wait3A_697] : memref<8x8x128xf32, #tpu.memory_space<vmem>> -> memref<1x8x128xf32, #tpu.memory_space<vmem>>
        %dma_wait3A_699 = tpu.memref_squeeze %dma_wait3A_698 : memref<1x8x128xf32, #tpu.memory_space<vmem>> -> memref<8x128xf32, #tpu.memory_space<vmem>>
        %dma_wait3A_700 = arith.constant 24 : i32
        %dma_wait3A_701 = tpu.memref_slice %arg4[%dma_wait3A_695, %dma_wait3A_700, %mul3A_693] : memref<50x64x4096xf32, #tpu.memory_space<hbm>> -> memref<1x8x128xf32, #tpu.memory_space<hbm>>
        %dma_wait3A_702 = tpu.memref_squeeze %dma_wait3A_701 : memref<1x8x128xf32, #tpu.memory_space<hbm>> -> memref<8x128xf32, #tpu.memory_space<hbm>>
        %dma_wait3A_703 = arith.constant 24 : i32
        %dma_wait3A_704 = tpu.memref_slice %arg4[%dma_wait3A_695, %dma_wait3A_703, %mul3A_693] : memref<50x64x4096xf32, #tpu.memory_space<hbm>> -> memref<1x8x128xf32, #tpu.memory_space<hbm>>
        %dma_wait3A_705 = tpu.memref_squeeze %dma_wait3A_704 : memref<1x8x128xf32, #tpu.memory_space<hbm>> -> memref<8x128xf32, #tpu.memory_space<hbm>>
        %dma_wait3A_706 = arith.constant 0 : i32
        %dma_wait3A_707 = arith.constant 0 : i32
        %dma_wait3A_708 = tpu.memref_slice %arg9[%dma_wait3A_694, %dma_wait3A_706, %dma_wait3A_707] : memref<8x8x128xf32, #tpu.memory_space<vmem>> -> memref<1x8x128xf32, #tpu.memory_space<vmem>>
        %dma_wait3A_709 = tpu.memref_squeeze %dma_wait3A_708 : memref<1x8x128xf32, #tpu.memory_space<vmem>> -> memref<8x128xf32, #tpu.memory_space<vmem>>
        tpu.wait_dma2 semaphore(%arg13 : memref<!tpu.dma_semaphore, #tpu.memory_space<semaphore_mem>>) src(%dma_wait3A_709 : memref<8x128xf32, #tpu.memory_space<vmem>>) dst(%dma_wait3A_705 : memref<8x128xf32, #tpu.memory_space<hbm>>)
        %mul3A_710 = arith.constant 128 : i32
        %mul3A_711 = arith.muli %add3A, %mul3A_710 : i32
        %dma_wait3A_712 = arith.constant 4 : i32
        %dma_wait3A_713 = arith.constant 0 : i32
        %dma_wait3A_714 = arith.constant 0 : i32
        %dma_wait3A_715 = arith.constant 0 : i32
        %dma_wait3A_716 = tpu.memref_slice %arg9[%dma_wait3A_712, %dma_wait3A_714, %dma_wait3A_715] : memref<8x8x128xf32, #tpu.memory_space<vmem>> -> memref<1x8x128xf32, #tpu.memory_space<vmem>>
        %dma_wait3A_717 = tpu.memref_squeeze %dma_wait3A_716 : memref<1x8x128xf32, #tpu.memory_space<vmem>> -> memref<8x128xf32, #tpu.memory_space<vmem>>
        %dma_wait3A_718 = arith.constant 32 : i32
        %dma_wait3A_719 = tpu.memref_slice %arg4[%dma_wait3A_713, %dma_wait3A_718, %mul3A_711] : memref<50x64x4096xf32, #tpu.memory_space<hbm>> -> memref<1x8x128xf32, #tpu.memory_space<hbm>>
        %dma_wait3A_720 = tpu.memref_squeeze %dma_wait3A_719 : memref<1x8x128xf32, #tpu.memory_space<hbm>> -> memref<8x128xf32, #tpu.memory_space<hbm>>
        %dma_wait3A_721 = arith.constant 32 : i32
        %dma_wait3A_722 = tpu.memref_slice %arg4[%dma_wait3A_713, %dma_wait3A_721, %mul3A_711] : memref<50x64x4096xf32, #tpu.memory_space<hbm>> -> memref<1x8x128xf32, #tpu.memory_space<hbm>>
        %dma_wait3A_723 = tpu.memref_squeeze %dma_wait3A_722 : memref<1x8x128xf32, #tpu.memory_space<hbm>> -> memref<8x128xf32, #tpu.memory_space<hbm>>
        %dma_wait3A_724 = arith.constant 0 : i32
        %dma_wait3A_725 = arith.constant 0 : i32
        %dma_wait3A_726 = tpu.memref_slice %arg9[%dma_wait3A_712, %dma_wait3A_724, %dma_wait3A_725] : memref<8x8x128xf32, #tpu.memory_space<vmem>> -> memref<1x8x128xf32, #tpu.memory_space<vmem>>
        %dma_wait3A_727 = tpu.memref_squeeze %dma_wait3A_726 : memref<1x8x128xf32, #tpu.memory_space<vmem>> -> memref<8x128xf32, #tpu.memory_space<vmem>>
        tpu.wait_dma2 semaphore(%arg13 : memref<!tpu.dma_semaphore, #tpu.memory_space<semaphore_mem>>) src(%dma_wait3A_727 : memref<8x128xf32, #tpu.memory_space<vmem>>) dst(%dma_wait3A_723 : memref<8x128xf32, #tpu.memory_space<hbm>>)
        %mul3A_728 = arith.constant 128 : i32
        %mul3A_729 = arith.muli %add3A, %mul3A_728 : i32
        %dma_wait3A_730 = arith.constant 5 : i32
        %dma_wait3A_731 = arith.constant 0 : i32
        %dma_wait3A_732 = arith.constant 0 : i32
        %dma_wait3A_733 = arith.constant 0 : i32
        %dma_wait3A_734 = tpu.memref_slice %arg9[%dma_wait3A_730, %dma_wait3A_732, %dma_wait3A_733] : memref<8x8x128xf32, #tpu.memory_space<vmem>> -> memref<1x8x128xf32, #tpu.memory_space<vmem>>
        %dma_wait3A_735 = tpu.memref_squeeze %dma_wait3A_734 : memref<1x8x128xf32, #tpu.memory_space<vmem>> -> memref<8x128xf32, #tpu.memory_space<vmem>>
        %dma_wait3A_736 = arith.constant 40 : i32
        %dma_wait3A_737 = tpu.memref_slice %arg4[%dma_wait3A_731, %dma_wait3A_736, %mul3A_729] : memref<50x64x4096xf32, #tpu.memory_space<hbm>> -> memref<1x8x128xf32, #tpu.memory_space<hbm>>
        %dma_wait3A_738 = tpu.memref_squeeze %dma_wait3A_737 : memref<1x8x128xf32, #tpu.memory_space<hbm>> -> memref<8x128xf32, #tpu.memory_space<hbm>>
        %dma_wait3A_739 = arith.constant 40 : i32
        %dma_wait3A_740 = tpu.memref_slice %arg4[%dma_wait3A_731, %dma_wait3A_739, %mul3A_729] : memref<50x64x4096xf32, #tpu.memory_space<hbm>> -> memref<1x8x128xf32, #tpu.memory_space<hbm>>
        %dma_wait3A_741 = tpu.memref_squeeze %dma_wait3A_740 : memref<1x8x128xf32, #tpu.memory_space<hbm>> -> memref<8x128xf32, #tpu.memory_space<hbm>>
        %dma_wait3A_742 = arith.constant 0 : i32
        %dma_wait3A_743 = arith.constant 0 : i32
        %dma_wait3A_744 = tpu.memref_slice %arg9[%dma_wait3A_730, %dma_wait3A_742, %dma_wait3A_743] : memref<8x8x128xf32, #tpu.memory_space<vmem>> -> memref<1x8x128xf32, #tpu.memory_space<vmem>>
        %dma_wait3A_745 = tpu.memref_squeeze %dma_wait3A_744 : memref<1x8x128xf32, #tpu.memory_space<vmem>> -> memref<8x128xf32, #tpu.memory_space<vmem>>
        tpu.wait_dma2 semaphore(%arg13 : memref<!tpu.dma_semaphore, #tpu.memory_space<semaphore_mem>>) src(%dma_wait3A_745 : memref<8x128xf32, #tpu.memory_space<vmem>>) dst(%dma_wait3A_741 : memref<8x128xf32, #tpu.memory_space<hbm>>)
        %mul3A_746 = arith.constant 128 : i32
        %mul3A_747 = arith.muli %add3A, %mul3A_746 : i32
        %dma_wait3A_748 = arith.constant 6 : i32
        %dma_wait3A_749 = arith.constant 0 : i32
        %dma_wait3A_750 = arith.constant 0 : i32
        %dma_wait3A_751 = arith.constant 0 : i32
        %dma_wait3A_752 = tpu.memref_slice %arg9[%dma_wait3A_748, %dma_wait3A_750, %dma_wait3A_751] : memref<8x8x128xf32, #tpu.memory_space<vmem>> -> memref<1x8x128xf32, #tpu.memory_space<vmem>>
        %dma_wait3A_753 = tpu.memref_squeeze %dma_wait3A_752 : memref<1x8x128xf32, #tpu.memory_space<vmem>> -> memref<8x128xf32, #tpu.memory_space<vmem>>
        %dma_wait3A_754 = arith.constant 48 : i32
        %dma_wait3A_755 = tpu.memref_slice %arg4[%dma_wait3A_749, %dma_wait3A_754, %mul3A_747] : memref<50x64x4096xf32, #tpu.memory_space<hbm>> -> memref<1x8x128xf32, #tpu.memory_space<hbm>>
        %dma_wait3A_756 = tpu.memref_squeeze %dma_wait3A_755 : memref<1x8x128xf32, #tpu.memory_space<hbm>> -> memref<8x128xf32, #tpu.memory_space<hbm>>
        %dma_wait3A_757 = arith.constant 48 : i32
        %dma_wait3A_758 = tpu.memref_slice %arg4[%dma_wait3A_749, %dma_wait3A_757, %mul3A_747] : memref<50x64x4096xf32, #tpu.memory_space<hbm>> -> memref<1x8x128xf32, #tpu.memory_space<hbm>>
        %dma_wait3A_759 = tpu.memref_squeeze %dma_wait3A_758 : memref<1x8x128xf32, #tpu.memory_space<hbm>> -> memref<8x128xf32, #tpu.memory_space<hbm>>
        %dma_wait3A_760 = arith.constant 0 : i32
        %dma_wait3A_761 = arith.constant 0 : i32
        %dma_wait3A_762 = tpu.memref_slice %arg9[%dma_wait3A_748, %dma_wait3A_760, %dma_wait3A_761] : memref<8x8x128xf32, #tpu.memory_space<vmem>> -> memref<1x8x128xf32, #tpu.memory_space<vmem>>
        %dma_wait3A_763 = tpu.memref_squeeze %dma_wait3A_762 : memref<1x8x128xf32, #tpu.memory_space<vmem>> -> memref<8x128xf32, #tpu.memory_space<vmem>>
        tpu.wait_dma2 semaphore(%arg13 : memref<!tpu.dma_semaphore, #tpu.memory_space<semaphore_mem>>) src(%dma_wait3A_763 : memref<8x128xf32, #tpu.memory_space<vmem>>) dst(%dma_wait3A_759 : memref<8x128xf32, #tpu.memory_space<hbm>>)
        %mul3A_764 = arith.constant 128 : i32
        %mul3A_765 = arith.muli %add3A, %mul3A_764 : i32
        %dma_wait3A_766 = arith.constant 7 : i32
        %dma_wait3A_767 = arith.constant 0 : i32
        %dma_wait3A_768 = arith.constant 0 : i32
        %dma_wait3A_769 = arith.constant 0 : i32
        %dma_wait3A_770 = tpu.memref_slice %arg9[%dma_wait3A_766, %dma_wait3A_768, %dma_wait3A_769] : memref<8x8x128xf32, #tpu.memory_space<vmem>> -> memref<1x8x128xf32, #tpu.memory_space<vmem>>
        %dma_wait3A_771 = tpu.memref_squeeze %dma_wait3A_770 : memref<1x8x128xf32, #tpu.memory_space<vmem>> -> memref<8x128xf32, #tpu.memory_space<vmem>>
        %dma_wait3A_772 = arith.constant 56 : i32
        %dma_wait3A_773 = tpu.memref_slice %arg4[%dma_wait3A_767, %dma_wait3A_772, %mul3A_765] : memref<50x64x4096xf32, #tpu.memory_space<hbm>> -> memref<1x8x128xf32, #tpu.memory_space<hbm>>
        %dma_wait3A_774 = tpu.memref_squeeze %dma_wait3A_773 : memref<1x8x128xf32, #tpu.memory_space<hbm>> -> memref<8x128xf32, #tpu.memory_space<hbm>>
        %dma_wait3A_775 = arith.constant 56 : i32
        %dma_wait3A_776 = tpu.memref_slice %arg4[%dma_wait3A_767, %dma_wait3A_775, %mul3A_765] : memref<50x64x4096xf32, #tpu.memory_space<hbm>> -> memref<1x8x128xf32, #tpu.memory_space<hbm>>
        %dma_wait3A_777 = tpu.memref_squeeze %dma_wait3A_776 : memref<1x8x128xf32, #tpu.memory_space<hbm>> -> memref<8x128xf32, #tpu.memory_space<hbm>>
        %dma_wait3A_778 = arith.constant 0 : i32
        %dma_wait3A_779 = arith.constant 0 : i32
        %dma_wait3A_780 = tpu.memref_slice %arg9[%dma_wait3A_766, %dma_wait3A_778, %dma_wait3A_779] : memref<8x8x128xf32, #tpu.memory_space<vmem>> -> memref<1x8x128xf32, #tpu.memory_space<vmem>>
        %dma_wait3A_781 = tpu.memref_squeeze %dma_wait3A_780 : memref<1x8x128xf32, #tpu.memory_space<vmem>> -> memref<8x128xf32, #tpu.memory_space<vmem>>
        tpu.wait_dma2 semaphore(%arg13 : memref<!tpu.dma_semaphore, #tpu.memory_space<semaphore_mem>>) src(%dma_wait3A_781 : memref<8x128xf32, #tpu.memory_space<vmem>>) dst(%dma_wait3A_777 : memref<8x128xf32, #tpu.memory_space<hbm>>)
      } else {
      }
      %parallel_loop3A_497 = arith.constant 0 : i32
      %parallel_loop3A_498 = arith.constant 64 : i32
      %parallel_loop3A_499 = arith.constant 1 : i32
      scf.for %parallel_loop3A_638 = %parallel_loop3A_497 to %parallel_loop3A_498 step %parallel_loop3A_499  : i32 {
        %parallel_loop3A_639 = vector.broadcast %parallel_loop3A_638 : i32 to vector<16xi32>
        %parallel_loop3A_640 = tpu.vector_load_idx %arg7[%add3A_3, %parallel_loop3A_639] : memref<128x128xf32, #tpu.memory_space<vmem>>[vector<16xi32>, vector<16xi32>], vector<16xf32>,
        %parallel_loop3A_641 = tpu.memref_reshape %arg9 : memref<8x8x128xf32, #tpu.memory_space<vmem>> -> memref<64x128xf32, #tpu.memory_space<vmem>>
        %parallel_loop3A_642 = arith.index_cast %parallel_loop3A_638 : i32 to index
        %parallel_loop3A_643 = arith.constant 0 : index
        %parallel_loop3A_644 = tpu.vector_load %parallel_loop3A_641[%parallel_loop3A_642, %parallel_loop3A_643] {strides = array<i32>} : memref<64x128xf32, #tpu.memory_space<vmem>>, vector<16xf32>,
        tpu.vector_store %parallel_loop3A_641[%parallel_loop3A_642, %parallel_loop3A_643], %parallel_loop3A_640 {strides = array<i32>} : memref<64x128xf32, #tpu.memory_space<vmem>>, vector<16xf32>,
        %parallel_loop3A_645 = tpu.vector_load_idx %arg7[%add3A_6, %parallel_loop3A_639] : memref<128x128xf32, #tpu.memory_space<vmem>>[vector<16xi32>, vector<16xi32>], vector<16xf32>,
        %parallel_loop3A_646 = tpu.memref_reshape %arg9 : memref<8x8x128xf32, #tpu.memory_space<vmem>> -> memref<64x128xf32, #tpu.memory_space<vmem>>
        %parallel_loop3A_647 = arith.index_cast %parallel_loop3A_638 : i32 to index
        %parallel_loop3A_648 = arith.constant 16 : index
        %parallel_loop3A_649 = tpu.vector_load %parallel_loop3A_646[%parallel_loop3A_647, %parallel_loop3A_648] {strides = array<i32>} : memref<64x128xf32, #tpu.memory_space<vmem>>, vector<16xf32>,
        tpu.vector_store %parallel_loop3A_646[%parallel_loop3A_647, %parallel_loop3A_648], %parallel_loop3A_645 {strides = array<i32>} : memref<64x128xf32, #tpu.memory_space<vmem>>, vector<16xf32>,
        %parallel_loop3A_650 = tpu.vector_load_idx %arg7[%add3A_9, %parallel_loop3A_639] : memref<128x128xf32, #tpu.memory_space<vmem>>[vector<16xi32>, vector<16xi32>], vector<16xf32>,
        %parallel_loop3A_651 = tpu.memref_reshape %arg9 : memref<8x8x128xf32, #tpu.memory_space<vmem>> -> memref<64x128xf32, #tpu.memory_space<vmem>>
        %parallel_loop3A_652 = arith.index_cast %parallel_loop3A_638 : i32 to index
        %parallel_loop3A_653 = arith.constant 32 : index
        %parallel_loop3A_654 = tpu.vector_load %parallel_loop3A_651[%parallel_loop3A_652, %parallel_loop3A_653] {strides = array<i32>} : memref<64x128xf32, #tpu.memory_space<vmem>>, vector<16xf32>,
        tpu.vector_store %parallel_loop3A_651[%parallel_loop3A_652, %parallel_loop3A_653], %parallel_loop3A_650 {strides = array<i32>} : memref<64x128xf32, #tpu.memory_space<vmem>>, vector<16xf32>,
        %parallel_loop3A_655 = tpu.vector_load_idx %arg7[%add3A_12, %parallel_loop3A_639] : memref<128x128xf32, #tpu.memory_space<vmem>>[vector<16xi32>, vector<16xi32>], vector<16xf32>,
        %parallel_loop3A_656 = tpu.memref_reshape %arg9 : memref<8x8x128xf32, #tpu.memory_space<vmem>> -> memref<64x128xf32, #tpu.memory_space<vmem>>
        %parallel_loop3A_657 = arith.index_cast %parallel_loop3A_638 : i32 to index
        %parallel_loop3A_658 = arith.constant 48 : index
        %parallel_loop3A_659 = tpu.vector_load %parallel_loop3A_656[%parallel_loop3A_657, %parallel_loop3A_658] {strides = array<i32>} : memref<64x128xf32, #tpu.memory_space<vmem>>, vector<16xf32>,
        tpu.vector_store %parallel_loop3A_656[%parallel_loop3A_657, %parallel_loop3A_658], %parallel_loop3A_655 {strides = array<i32>} : memref<64x128xf32, #tpu.memory_space<vmem>>, vector<16xf32>,
        %parallel_loop3A_660 = tpu.vector_load_idx %arg7[%add3A_15, %parallel_loop3A_639] : memref<128x128xf32, #tpu.memory_space<vmem>>[vector<16xi32>, vector<16xi32>], vector<16xf32>,
        %parallel_loop3A_661 = tpu.memref_reshape %arg9 : memref<8x8x128xf32, #tpu.memory_space<vmem>> -> memref<64x128xf32, #tpu.memory_space<vmem>>
        %parallel_loop3A_662 = arith.index_cast %parallel_loop3A_638 : i32 to index
        %parallel_loop3A_663 = arith.constant 64 : index
        %parallel_loop3A_664 = tpu.vector_load %parallel_loop3A_661[%parallel_loop3A_662, %parallel_loop3A_663] {strides = array<i32>} : memref<64x128xf32, #tpu.memory_space<vmem>>, vector<16xf32>,
        tpu.vector_store %parallel_loop3A_661[%parallel_loop3A_662, %parallel_loop3A_663], %parallel_loop3A_660 {strides = array<i32>} : memref<64x128xf32, #tpu.memory_space<vmem>>, vector<16xf32>,
        %parallel_loop3A_665 = tpu.vector_load_idx %arg7[%add3A_18, %parallel_loop3A_639] : memref<128x128xf32, #tpu.memory_space<vmem>>[vector<16xi32>, vector<16xi32>], vector<16xf32>,
        %parallel_loop3A_666 = tpu.memref_reshape %arg9 : memref<8x8x128xf32, #tpu.memory_space<vmem>> -> memref<64x128xf32, #tpu.memory_space<vmem>>
        %parallel_loop3A_667 = arith.index_cast %parallel_loop3A_638 : i32 to index
        %parallel_loop3A_668 = arith.constant 80 : index
        %parallel_loop3A_669 = tpu.vector_load %parallel_loop3A_666[%parallel_loop3A_667, %parallel_loop3A_668] {strides = array<i32>} : memref<64x128xf32, #tpu.memory_space<vmem>>, vector<16xf32>,
        tpu.vector_store %parallel_loop3A_666[%parallel_loop3A_667, %parallel_loop3A_668], %parallel_loop3A_665 {strides = array<i32>} : memref<64x128xf32, #tpu.memory_space<vmem>>, vector<16xf32>,
        %parallel_loop3A_670 = tpu.vector_load_idx %arg7[%add3A_21, %parallel_loop3A_639] : memref<128x128xf32, #tpu.memory_space<vmem>>[vector<16xi32>, vector<16xi32>], vector<16xf32>,
        %parallel_loop3A_671 = tpu.memref_reshape %arg9 : memref<8x8x128xf32, #tpu.memory_space<vmem>> -> memref<64x128xf32, #tpu.memory_space<vmem>>
        %parallel_loop3A_672 = arith.index_cast %parallel_loop3A_638 : i32 to index
        %parallel_loop3A_673 = arith.constant 96 : index
        %parallel_loop3A_674 = tpu.vector_load %parallel_loop3A_671[%parallel_loop3A_672, %parallel_loop3A_673] {strides = array<i32>} : memref<64x128xf32, #tpu.memory_space<vmem>>, vector<16xf32>,
        tpu.vector_store %parallel_loop3A_671[%parallel_loop3A_672, %parallel_loop3A_673], %parallel_loop3A_670 {strides = array<i32>} : memref<64x128xf32, #tpu.memory_space<vmem>>, vector<16xf32>,
        %parallel_loop3A_675 = tpu.vector_load_idx %arg7[%add3A_24, %parallel_loop3A_639] : memref<128x128xf32, #tpu.memory_space<vmem>>[vector<16xi32>, vector<16xi32>], vector<16xf32>,
        %parallel_loop3A_676 = tpu.memref_reshape %arg9 : memref<8x8x128xf32, #tpu.memory_space<vmem>> -> memref<64x128xf32, #tpu.memory_space<vmem>>
        %parallel_loop3A_677 = arith.index_cast %parallel_loop3A_638 : i32 to index
        %parallel_loop3A_678 = arith.constant 112 : index
        %parallel_loop3A_679 = tpu.vector_load %parallel_loop3A_676[%parallel_loop3A_677, %parallel_loop3A_678] {strides = array<i32>} : memref<64x128xf32, #tpu.memory_space<vmem>>, vector<16xf32>,
        tpu.vector_store %parallel_loop3A_676[%parallel_loop3A_677, %parallel_loop3A_678], %parallel_loop3A_675 {strides = array<i32>} : memref<64x128xf32, #tpu.memory_space<vmem>>, vector<16xf32>,
      } {sc.loop_unroll_factor = 4 : i64, sc.parallel_access}
      %add3A_500 = arith.constant 1 : i32
      %add3A_501 = arith.addi %mul3A_325, %add3A_500 : i32
      %mul3A_502 = arith.constant 128 : i32
      %mul3A_503 = arith.muli %add3A, %mul3A_502 : i32
      %dma_start3A_504 = arith.constant 0 : i32
      %dma_start3A_505 = arith.constant 0 : i32
      %dma_start3A_506 = arith.constant 0 : i32
      %dma_start3A_507 = tpu.memref_slice %arg9[%dma_start3A_504, %dma_start3A_505, %dma_start3A_506] : memref<8x8x128xf32, #tpu.memory_space<vmem>> -> memref<1x8x128xf32, #tpu.memory_space<vmem>>
      %dma_start3A_508 = tpu.memref_squeeze %dma_start3A_507 : memref<1x8x128xf32, #tpu.memory_space<vmem>> -> memref<8x128xf32, #tpu.memory_space<vmem>>
      %dma_start3A_509 = arith.constant 0 : i32
      %dma_start3A_510 = tpu.memref_slice %arg4[%add3A_501, %dma_start3A_509, %mul3A_503] : memref<50x64x4096xf32, #tpu.memory_space<hbm>> -> memref<1x8x128xf32, #tpu.memory_space<hbm>>
      %dma_start3A_511 = tpu.memref_squeeze %dma_start3A_510 : memref<1x8x128xf32, #tpu.memory_space<hbm>> -> memref<8x128xf32, #tpu.memory_space<hbm>>
      %dma_start3A_512 = arith.constant 0 : i32
      %dma_start3A_513 = tpu.memref_slice %arg4[%add3A_501, %dma_start3A_512, %mul3A_503] : memref<50x64x4096xf32, #tpu.memory_space<hbm>> -> memref<1x8x128xf32, #tpu.memory_space<hbm>>
      %dma_start3A_514 = tpu.memref_squeeze %dma_start3A_513 : memref<1x8x128xf32, #tpu.memory_space<hbm>> -> memref<8x128xf32, #tpu.memory_space<hbm>>
      %dma_start3A_515 = arith.constant 0 : i32
      %dma_start3A_516 = arith.constant 0 : i32
      %dma_start3A_517 = tpu.memref_slice %arg9[%dma_start3A_504, %dma_start3A_515, %dma_start3A_516] : memref<8x8x128xf32, #tpu.memory_space<vmem>> -> memref<1x8x128xf32, #tpu.memory_space<vmem>>
      %dma_start3A_518 = tpu.memref_squeeze %dma_start3A_517 : memref<1x8x128xf32, #tpu.memory_space<vmem>> -> memref<8x128xf32, #tpu.memory_space<vmem>>
      tpu.enqueue_dma source(%dma_start3A_518 : memref<8x128xf32, #tpu.memory_space<vmem>>) target(%dma_start3A_514 : memref<8x128xf32, #tpu.memory_space<hbm>>) target_semaphore(%arg13 : memref<!tpu.dma_semaphore, #tpu.memory_space<semaphore_mem>>)
      %mul3A_519 = arith.constant 128 : i32
      %mul3A_520 = arith.muli %add3A, %mul3A_519 : i32
      %dma_start3A_521 = arith.constant 1 : i32
      %dma_start3A_522 = arith.constant 0 : i32
      %dma_start3A_523 = arith.constant 0 : i32
      %dma_start3A_524 = tpu.memref_slice %arg9[%dma_start3A_521, %dma_start3A_522, %dma_start3A_523] : memref<8x8x128xf32, #tpu.memory_space<vmem>> -> memref<1x8x128xf32, #tpu.memory_space<vmem>>
      %dma_start3A_525 = tpu.memref_squeeze %dma_start3A_524 : memref<1x8x128xf32, #tpu.memory_space<vmem>> -> memref<8x128xf32, #tpu.memory_space<vmem>>
      %dma_start3A_526 = arith.constant 8 : i32
      %dma_start3A_527 = tpu.memref_slice %arg4[%add3A_501, %dma_start3A_526, %mul3A_520] : memref<50x64x4096xf32, #tpu.memory_space<hbm>> -> memref<1x8x128xf32, #tpu.memory_space<hbm>>
      %dma_start3A_528 = tpu.memref_squeeze %dma_start3A_527 : memref<1x8x128xf32, #tpu.memory_space<hbm>> -> memref<8x128xf32, #tpu.memory_space<hbm>>
      %dma_start3A_529 = arith.constant 8 : i32
      %dma_start3A_530 = tpu.memref_slice %arg4[%add3A_501, %dma_start3A_529, %mul3A_520] : memref<50x64x4096xf32, #tpu.memory_space<hbm>> -> memref<1x8x128xf32, #tpu.memory_space<hbm>>
      %dma_start3A_531 = tpu.memref_squeeze %dma_start3A_530 : memref<1x8x128xf32, #tpu.memory_space<hbm>> -> memref<8x128xf32, #tpu.memory_space<hbm>>
      %dma_start3A_532 = arith.constant 0 : i32
      %dma_start3A_533 = arith.constant 0 : i32
      %dma_start3A_534 = tpu.memref_slice %arg9[%dma_start3A_521, %dma_start3A_532, %dma_start3A_533] : memref<8x8x128xf32, #tpu.memory_space<vmem>> -> memref<1x8x128xf32, #tpu.memory_space<vmem>>
      %dma_start3A_535 = tpu.memref_squeeze %dma_start3A_534 : memref<1x8x128xf32, #tpu.memory_space<vmem>> -> memref<8x128xf32, #tpu.memory_space<vmem>>
      tpu.enqueue_dma source(%dma_start3A_535 : memref<8x128xf32, #tpu.memory_space<vmem>>) target(%dma_start3A_531 : memref<8x128xf32, #tpu.memory_space<hbm>>) target_semaphore(%arg13 : memref<!tpu.dma_semaphore, #tpu.memory_space<semaphore_mem>>)
      %mul3A_536 = arith.constant 128 : i32
      %mul3A_537 = arith.muli %add3A, %mul3A_536 : i32
      %dma_start3A_538 = arith.constant 2 : i32
      %dma_start3A_539 = arith.constant 0 : i32
      %dma_start3A_540 = arith.constant 0 : i32
      %dma_start3A_541 = tpu.memref_slice %arg9[%dma_start3A_538, %dma_start3A_539, %dma_start3A_540] : memref<8x8x128xf32, #tpu.memory_space<vmem>> -> memref<1x8x128xf32, #tpu.memory_space<vmem>>
      %dma_start3A_542 = tpu.memref_squeeze %dma_start3A_541 : memref<1x8x128xf32, #tpu.memory_space<vmem>> -> memref<8x128xf32, #tpu.memory_space<vmem>>
      %dma_start3A_543 = arith.constant 16 : i32
      %dma_start3A_544 = tpu.memref_slice %arg4[%add3A_501, %dma_start3A_543, %mul3A_537] : memref<50x64x4096xf32, #tpu.memory_space<hbm>> -> memref<1x8x128xf32, #tpu.memory_space<hbm>>
      %dma_start3A_545 = tpu.memref_squeeze %dma_start3A_544 : memref<1x8x128xf32, #tpu.memory_space<hbm>> -> memref<8x128xf32, #tpu.memory_space<hbm>>
      %dma_start3A_546 = arith.constant 16 : i32
      %dma_start3A_547 = tpu.memref_slice %arg4[%add3A_501, %dma_start3A_546, %mul3A_537] : memref<50x64x4096xf32, #tpu.memory_space<hbm>> -> memref<1x8x128xf32, #tpu.memory_space<hbm>>
      %dma_start3A_548 = tpu.memref_squeeze %dma_start3A_547 : memref<1x8x128xf32, #tpu.memory_space<hbm>> -> memref<8x128xf32, #tpu.memory_space<hbm>>
      %dma_start3A_549 = arith.constant 0 : i32
      %dma_start3A_550 = arith.constant 0 : i32
      %dma_start3A_551 = tpu.memref_slice %arg9[%dma_start3A_538, %dma_start3A_549, %dma_start3A_550] : memref<8x8x128xf32, #tpu.memory_space<vmem>> -> memref<1x8x128xf32, #tpu.memory_space<vmem>>
      %dma_start3A_552 = tpu.memref_squeeze %dma_start3A_551 : memref<1x8x128xf32, #tpu.memory_space<vmem>> -> memref<8x128xf32, #tpu.memory_space<vmem>>
      tpu.enqueue_dma source(%dma_start3A_552 : memref<8x128xf32, #tpu.memory_space<vmem>>) target(%dma_start3A_548 : memref<8x128xf32, #tpu.memory_space<hbm>>) target_semaphore(%arg13 : memref<!tpu.dma_semaphore, #tpu.memory_space<semaphore_mem>>)
      %mul3A_553 = arith.constant 128 : i32
      %mul3A_554 = arith.muli %add3A, %mul3A_553 : i32
      %dma_start3A_555 = arith.constant 3 : i32
      %dma_start3A_556 = arith.constant 0 : i32
      %dma_start3A_557 = arith.constant 0 : i32
      %dma_start3A_558 = tpu.memref_slice %arg9[%dma_start3A_555, %dma_start3A_556, %dma_start3A_557] : memref<8x8x128xf32, #tpu.memory_space<vmem>> -> memref<1x8x128xf32, #tpu.memory_space<vmem>>
      %dma_start3A_559 = tpu.memref_squeeze %dma_start3A_558 : memref<1x8x128xf32, #tpu.memory_space<vmem>> -> memref<8x128xf32, #tpu.memory_space<vmem>>
      %dma_start3A_560 = arith.constant 24 : i32
      %dma_start3A_561 = tpu.memref_slice %arg4[%add3A_501, %dma_start3A_560, %mul3A_554] : memref<50x64x4096xf32, #tpu.memory_space<hbm>> -> memref<1x8x128xf32, #tpu.memory_space<hbm>>
      %dma_start3A_562 = tpu.memref_squeeze %dma_start3A_561 : memref<1x8x128xf32, #tpu.memory_space<hbm>> -> memref<8x128xf32, #tpu.memory_space<hbm>>
      %dma_start3A_563 = arith.constant 24 : i32
      %dma_start3A_564 = tpu.memref_slice %arg4[%add3A_501, %dma_start3A_563, %mul3A_554] : memref<50x64x4096xf32, #tpu.memory_space<hbm>> -> memref<1x8x128xf32, #tpu.memory_space<hbm>>
      %dma_start3A_565 = tpu.memref_squeeze %dma_start3A_564 : memref<1x8x128xf32, #tpu.memory_space<hbm>> -> memref<8x128xf32, #tpu.memory_space<hbm>>
      %dma_start3A_566 = arith.constant 0 : i32
      %dma_start3A_567 = arith.constant 0 : i32
      %dma_start3A_568 = tpu.memref_slice %arg9[%dma_start3A_555, %dma_start3A_566, %dma_start3A_567] : memref<8x8x128xf32, #tpu.memory_space<vmem>> -> memref<1x8x128xf32, #tpu.memory_space<vmem>>
      %dma_start3A_569 = tpu.memref_squeeze %dma_start3A_568 : memref<1x8x128xf32, #tpu.memory_space<vmem>> -> memref<8x128xf32, #tpu.memory_space<vmem>>
      tpu.enqueue_dma source(%dma_start3A_569 : memref<8x128xf32, #tpu.memory_space<vmem>>) target(%dma_start3A_565 : memref<8x128xf32, #tpu.memory_space<hbm>>) target_semaphore(%arg13 : memref<!tpu.dma_semaphore, #tpu.memory_space<semaphore_mem>>)
      %mul3A_570 = arith.constant 128 : i32
      %mul3A_571 = arith.muli %add3A, %mul3A_570 : i32
      %dma_start3A_572 = arith.constant 4 : i32
      %dma_start3A_573 = arith.constant 0 : i32
      %dma_start3A_574 = arith.constant 0 : i32
      %dma_start3A_575 = tpu.memref_slice %arg9[%dma_start3A_572, %dma_start3A_573, %dma_start3A_574] : memref<8x8x128xf32, #tpu.memory_space<vmem>> -> memref<1x8x128xf32, #tpu.memory_space<vmem>>
      %dma_start3A_576 = tpu.memref_squeeze %dma_start3A_575 : memref<1x8x128xf32, #tpu.memory_space<vmem>> -> memref<8x128xf32, #tpu.memory_space<vmem>>
      %dma_start3A_577 = arith.constant 32 : i32
      %dma_start3A_578 = tpu.memref_slice %arg4[%add3A_501, %dma_start3A_577, %mul3A_571] : memref<50x64x4096xf32, #tpu.memory_space<hbm>> -> memref<1x8x128xf32, #tpu.memory_space<hbm>>
      %dma_start3A_579 = tpu.memref_squeeze %dma_start3A_578 : memref<1x8x128xf32, #tpu.memory_space<hbm>> -> memref<8x128xf32, #tpu.memory_space<hbm>>
      %dma_start3A_580 = arith.constant 32 : i32
      %dma_start3A_581 = tpu.memref_slice %arg4[%add3A_501, %dma_start3A_580, %mul3A_571] : memref<50x64x4096xf32, #tpu.memory_space<hbm>> -> memref<1x8x128xf32, #tpu.memory_space<hbm>>
      %dma_start3A_582 = tpu.memref_squeeze %dma_start3A_581 : memref<1x8x128xf32, #tpu.memory_space<hbm>> -> memref<8x128xf32, #tpu.memory_space<hbm>>
      %dma_start3A_583 = arith.constant 0 : i32
      %dma_start3A_584 = arith.constant 0 : i32
      %dma_start3A_585 = tpu.memref_slice %arg9[%dma_start3A_572, %dma_start3A_583, %dma_start3A_584] : memref<8x8x128xf32, #tpu.memory_space<vmem>> -> memref<1x8x128xf32, #tpu.memory_space<vmem>>
      %dma_start3A_586 = tpu.memref_squeeze %dma_start3A_585 : memref<1x8x128xf32, #tpu.memory_space<vmem>> -> memref<8x128xf32, #tpu.memory_space<vmem>>
      tpu.enqueue_dma source(%dma_start3A_586 : memref<8x128xf32, #tpu.memory_space<vmem>>) target(%dma_start3A_582 : memref<8x128xf32, #tpu.memory_space<hbm>>) target_semaphore(%arg13 : memref<!tpu.dma_semaphore, #tpu.memory_space<semaphore_mem>>)
      %mul3A_587 = arith.constant 128 : i32
      %mul3A_588 = arith.muli %add3A, %mul3A_587 : i32
      %dma_start3A_589 = arith.constant 5 : i32
      %dma_start3A_590 = arith.constant 0 : i32
      %dma_start3A_591 = arith.constant 0 : i32
      %dma_start3A_592 = tpu.memref_slice %arg9[%dma_start3A_589, %dma_start3A_590, %dma_start3A_591] : memref<8x8x128xf32, #tpu.memory_space<vmem>> -> memref<1x8x128xf32, #tpu.memory_space<vmem>>
      %dma_start3A_593 = tpu.memref_squeeze %dma_start3A_592 : memref<1x8x128xf32, #tpu.memory_space<vmem>> -> memref<8x128xf32, #tpu.memory_space<vmem>>
      %dma_start3A_594 = arith.constant 40 : i32
      %dma_start3A_595 = tpu.memref_slice %arg4[%add3A_501, %dma_start3A_594, %mul3A_588] : memref<50x64x4096xf32, #tpu.memory_space<hbm>> -> memref<1x8x128xf32, #tpu.memory_space<hbm>>
      %dma_start3A_596 = tpu.memref_squeeze %dma_start3A_595 : memref<1x8x128xf32, #tpu.memory_space<hbm>> -> memref<8x128xf32, #tpu.memory_space<hbm>>
      %dma_start3A_597 = arith.constant 40 : i32
      %dma_start3A_598 = tpu.memref_slice %arg4[%add3A_501, %dma_start3A_597, %mul3A_588] : memref<50x64x4096xf32, #tpu.memory_space<hbm>> -> memref<1x8x128xf32, #tpu.memory_space<hbm>>
      %dma_start3A_599 = tpu.memref_squeeze %dma_start3A_598 : memref<1x8x128xf32, #tpu.memory_space<hbm>> -> memref<8x128xf32, #tpu.memory_space<hbm>>
      %dma_start3A_600 = arith.constant 0 : i32
      %dma_start3A_601 = arith.constant 0 : i32
      %dma_start3A_602 = tpu.memref_slice %arg9[%dma_start3A_589, %dma_start3A_600, %dma_start3A_601] : memref<8x8x128xf32, #tpu.memory_space<vmem>> -> memref<1x8x128xf32, #tpu.memory_space<vmem>>
      %dma_start3A_603 = tpu.memref_squeeze %dma_start3A_602 : memref<1x8x128xf32, #tpu.memory_space<vmem>> -> memref<8x128xf32, #tpu.memory_space<vmem>>
      tpu.enqueue_dma source(%dma_start3A_603 : memref<8x128xf32, #tpu.memory_space<vmem>>) target(%dma_start3A_599 : memref<8x128xf32, #tpu.memory_space<hbm>>) target_semaphore(%arg13 : memref<!tpu.dma_semaphore, #tpu.memory_space<semaphore_mem>>)
      %mul3A_604 = arith.constant 128 : i32
      %mul3A_605 = arith.muli %add3A, %mul3A_604 : i32
      %dma_start3A_606 = arith.constant 6 : i32
      %dma_start3A_607 = arith.constant 0 : i32
      %dma_start3A_608 = arith.constant 0 : i32
      %dma_start3A_609 = tpu.memref_slice %arg9[%dma_start3A_606, %dma_start3A_607, %dma_start3A_608] : memref<8x8x128xf32, #tpu.memory_space<vmem>> -> memref<1x8x128xf32, #tpu.memory_space<vmem>>
      %dma_start3A_610 = tpu.memref_squeeze %dma_start3A_609 : memref<1x8x128xf32, #tpu.memory_space<vmem>> -> memref<8x128xf32, #tpu.memory_space<vmem>>
      %dma_start3A_611 = arith.constant 48 : i32
      %dma_start3A_612 = tpu.memref_slice %arg4[%add3A_501, %dma_start3A_611, %mul3A_605] : memref<50x64x4096xf32, #tpu.memory_space<hbm>> -> memref<1x8x128xf32, #tpu.memory_space<hbm>>
      %dma_start3A_613 = tpu.memref_squeeze %dma_start3A_612 : memref<1x8x128xf32, #tpu.memory_space<hbm>> -> memref<8x128xf32, #tpu.memory_space<hbm>>
      %dma_start3A_614 = arith.constant 48 : i32
      %dma_start3A_615 = tpu.memref_slice %arg4[%add3A_501, %dma_start3A_614, %mul3A_605] : memref<50x64x4096xf32, #tpu.memory_space<hbm>> -> memref<1x8x128xf32, #tpu.memory_space<hbm>>
      %dma_start3A_616 = tpu.memref_squeeze %dma_start3A_615 : memref<1x8x128xf32, #tpu.memory_space<hbm>> -> memref<8x128xf32, #tpu.memory_space<hbm>>
      %dma_start3A_617 = arith.constant 0 : i32
      %dma_start3A_618 = arith.constant 0 : i32
      %dma_start3A_619 = tpu.memref_slice %arg9[%dma_start3A_606, %dma_start3A_617, %dma_start3A_618] : memref<8x8x128xf32, #tpu.memory_space<vmem>> -> memref<1x8x128xf32, #tpu.memory_space<vmem>>
      %dma_start3A_620 = tpu.memref_squeeze %dma_start3A_619 : memref<1x8x128xf32, #tpu.memory_space<vmem>> -> memref<8x128xf32, #tpu.memory_space<vmem>>
      tpu.enqueue_dma source(%dma_start3A_620 : memref<8x128xf32, #tpu.memory_space<vmem>>) target(%dma_start3A_616 : memref<8x128xf32, #tpu.memory_space<hbm>>) target_semaphore(%arg13 : memref<!tpu.dma_semaphore, #tpu.memory_space<semaphore_mem>>)
      %mul3A_621 = arith.constant 128 : i32
      %mul3A_622 = arith.muli %add3A, %mul3A_621 : i32
      %dma_start3A_623 = arith.constant 7 : i32
      %dma_start3A_624 = arith.constant 0 : i32
      %dma_start3A_625 = arith.constant 0 : i32
      %dma_start3A_626 = tpu.memref_slice %arg9[%dma_start3A_623, %dma_start3A_624, %dma_start3A_625] : memref<8x8x128xf32, #tpu.memory_space<vmem>> -> memref<1x8x128xf32, #tpu.memory_space<vmem>>
      %dma_start3A_627 = tpu.memref_squeeze %dma_start3A_626 : memref<1x8x128xf32, #tpu.memory_space<vmem>> -> memref<8x128xf32, #tpu.memory_space<vmem>>
      %dma_start3A_628 = arith.constant 56 : i32
      %dma_start3A_629 = tpu.memref_slice %arg4[%add3A_501, %dma_start3A_628, %mul3A_622] : memref<50x64x4096xf32, #tpu.memory_space<hbm>> -> memref<1x8x128xf32, #tpu.memory_space<hbm>>
      %dma_start3A_630 = tpu.memref_squeeze %dma_start3A_629 : memref<1x8x128xf32, #tpu.memory_space<hbm>> -> memref<8x128xf32, #tpu.memory_space<hbm>>
      %dma_start3A_631 = arith.constant 56 : i32
      %dma_start3A_632 = tpu.memref_slice %arg4[%add3A_501, %dma_start3A_631, %mul3A_622] : memref<50x64x4096xf32, #tpu.memory_space<hbm>> -> memref<1x8x128xf32, #tpu.memory_space<hbm>>
      %dma_start3A_633 = tpu.memref_squeeze %dma_start3A_632 : memref<1x8x128xf32, #tpu.memory_space<hbm>> -> memref<8x128xf32, #tpu.memory_space<hbm>>
      %dma_start3A_634 = arith.constant 0 : i32
      %dma_start3A_635 = arith.constant 0 : i32
      %dma_start3A_636 = tpu.memref_slice %arg9[%dma_start3A_623, %dma_start3A_634, %dma_start3A_635] : memref<8x8x128xf32, #tpu.memory_space<vmem>> -> memref<1x8x128xf32, #tpu.memory_space<vmem>>
      %dma_start3A_637 = tpu.memref_squeeze %dma_start3A_636 : memref<1x8x128xf32, #tpu.memory_space<vmem>> -> memref<8x128xf32, #tpu.memory_space<vmem>>
      tpu.enqueue_dma source(%dma_start3A_637 : memref<8x128xf32, #tpu.memory_space<vmem>>) target(%dma_start3A_633 : memref<8x128xf32, #tpu.memory_space<hbm>>) target_semaphore(%arg13 : memref<!tpu.dma_semaphore, #tpu.memory_space<semaphore_mem>>)
    }
    %scan3A_35 = arith.constant 25 : i32
    %mul3A_36 = arith.constant 128 : i32
    %mul3A_37 = arith.muli %add3A, %mul3A_36 : i32
    %dma_wait3A = arith.constant 0 : i32
    %dma_wait3A_38 = arith.constant 0 : i32
    %dma_wait3A_39 = arith.constant 0 : i32
    %dma_wait3A_40 = arith.constant 0 : i32
    %dma_wait3A_41 = tpu.memref_slice %arg8[%dma_wait3A, %dma_wait3A_39, %dma_wait3A_40] : memref<8x8x128xf32, #tpu.memory_space<vmem>> -> memref<1x8x128xf32, #tpu.memory_space<vmem>>
    %dma_wait3A_42 = tpu.memref_squeeze %dma_wait3A_41 : memref<1x8x128xf32, #tpu.memory_space<vmem>> -> memref<8x128xf32, #tpu.memory_space<vmem>>
    %dma_wait3A_43 = arith.constant 0 : i32
    %dma_wait3A_44 = tpu.memref_slice %arg4[%dma_wait3A_38, %dma_wait3A_43, %mul3A_37] : memref<50x64x4096xf32, #tpu.memory_space<hbm>> -> memref<1x8x128xf32, #tpu.memory_space<hbm>>
    %dma_wait3A_45 = tpu.memref_squeeze %dma_wait3A_44 : memref<1x8x128xf32, #tpu.memory_space<hbm>> -> memref<8x128xf32, #tpu.memory_space<hbm>>
    %dma_wait3A_46 = arith.constant 0 : i32
    %dma_wait3A_47 = tpu.memref_slice %arg4[%dma_wait3A_38, %dma_wait3A_46, %mul3A_37] : memref<50x64x4096xf32, #tpu.memory_space<hbm>> -> memref<1x8x128xf32, #tpu.memory_space<hbm>>
    %dma_wait3A_48 = tpu.memref_squeeze %dma_wait3A_47 : memref<1x8x128xf32, #tpu.memory_space<hbm>> -> memref<8x128xf32, #tpu.memory_space<hbm>>
    %dma_wait3A_49 = arith.constant 0 : i32
    %dma_wait3A_50 = arith.constant 0 : i32
    %dma_wait3A_51 = tpu.memref_slice %arg8[%dma_wait3A, %dma_wait3A_49, %dma_wait3A_50] : memref<8x8x128xf32, #tpu.memory_space<vmem>> -> memref<1x8x128xf32, #tpu.memory_space<vmem>>
    %dma_wait3A_52 = tpu.memref_squeeze %dma_wait3A_51 : memref<1x8x128xf32, #tpu.memory_space<vmem>> -> memref<8x128xf32, #tpu.memory_space<vmem>>
    tpu.wait_dma2 semaphore(%arg12 : memref<!tpu.dma_semaphore, #tpu.memory_space<semaphore_mem>>) src(%dma_wait3A_52 : memref<8x128xf32, #tpu.memory_space<vmem>>) dst(%dma_wait3A_48 : memref<8x128xf32, #tpu.memory_space<hbm>>)
    %mul3A_53 = arith.constant 128 : i32
    %mul3A_54 = arith.muli %add3A, %mul3A_53 : i32
    %dma_wait3A_55 = arith.constant 1 : i32
    %dma_wait3A_56 = arith.constant 0 : i32
    %dma_wait3A_57 = arith.constant 0 : i32
    %dma_wait3A_58 = arith.constant 0 : i32
    %dma_wait3A_59 = tpu.memref_slice %arg8[%dma_wait3A_55, %dma_wait3A_57, %dma_wait3A_58] : memref<8x8x128xf32, #tpu.memory_space<vmem>> -> memref<1x8x128xf32, #tpu.memory_space<vmem>>
    %dma_wait3A_60 = tpu.memref_squeeze %dma_wait3A_59 : memref<1x8x128xf32, #tpu.memory_space<vmem>> -> memref<8x128xf32, #tpu.memory_space<vmem>>
    %dma_wait3A_61 = arith.constant 8 : i32
    %dma_wait3A_62 = tpu.memref_slice %arg4[%dma_wait3A_56, %dma_wait3A_61, %mul3A_54] : memref<50x64x4096xf32, #tpu.memory_space<hbm>> -> memref<1x8x128xf32, #tpu.memory_space<hbm>>
    %dma_wait3A_63 = tpu.memref_squeeze %dma_wait3A_62 : memref<1x8x128xf32, #tpu.memory_space<hbm>> -> memref<8x128xf32, #tpu.memory_space<hbm>>
    %dma_wait3A_64 = arith.constant 8 : i32
    %dma_wait3A_65 = tpu.memref_slice %arg4[%dma_wait3A_56, %dma_wait3A_64, %mul3A_54] : memref<50x64x4096xf32, #tpu.memory_space<hbm>> -> memref<1x8x128xf32, #tpu.memory_space<hbm>>
    %dma_wait3A_66 = tpu.memref_squeeze %dma_wait3A_65 : memref<1x8x128xf32, #tpu.memory_space<hbm>> -> memref<8x128xf32, #tpu.memory_space<hbm>>
    %dma_wait3A_67 = arith.constant 0 : i32
    %dma_wait3A_68 = arith.constant 0 : i32
    %dma_wait3A_69 = tpu.memref_slice %arg8[%dma_wait3A_55, %dma_wait3A_67, %dma_wait3A_68] : memref<8x8x128xf32, #tpu.memory_space<vmem>> -> memref<1x8x128xf32, #tpu.memory_space<vmem>>
    %dma_wait3A_70 = tpu.memref_squeeze %dma_wait3A_69 : memref<1x8x128xf32, #tpu.memory_space<vmem>> -> memref<8x128xf32, #tpu.memory_space<vmem>>
    tpu.wait_dma2 semaphore(%arg12 : memref<!tpu.dma_semaphore, #tpu.memory_space<semaphore_mem>>) src(%dma_wait3A_70 : memref<8x128xf32, #tpu.memory_space<vmem>>) dst(%dma_wait3A_66 : memref<8x128xf32, #tpu.memory_space<hbm>>)
    %mul3A_71 = arith.constant 128 : i32
    %mul3A_72 = arith.muli %add3A, %mul3A_71 : i32
    %dma_wait3A_73 = arith.constant 2 : i32
    %dma_wait3A_74 = arith.constant 0 : i32
    %dma_wait3A_75 = arith.constant 0 : i32
    %dma_wait3A_76 = arith.constant 0 : i32
    %dma_wait3A_77 = tpu.memref_slice %arg8[%dma_wait3A_73, %dma_wait3A_75, %dma_wait3A_76] : memref<8x8x128xf32, #tpu.memory_space<vmem>> -> memref<1x8x128xf32, #tpu.memory_space<vmem>>
    %dma_wait3A_78 = tpu.memref_squeeze %dma_wait3A_77 : memref<1x8x128xf32, #tpu.memory_space<vmem>> -> memref<8x128xf32, #tpu.memory_space<vmem>>
    %dma_wait3A_79 = arith.constant 16 : i32
    %dma_wait3A_80 = tpu.memref_slice %arg4[%dma_wait3A_74, %dma_wait3A_79, %mul3A_72] : memref<50x64x4096xf32, #tpu.memory_space<hbm>> -> memref<1x8x128xf32, #tpu.memory_space<hbm>>
    %dma_wait3A_81 = tpu.memref_squeeze %dma_wait3A_80 : memref<1x8x128xf32, #tpu.memory_space<hbm>> -> memref<8x128xf32, #tpu.memory_space<hbm>>
    %dma_wait3A_82 = arith.constant 16 : i32
    %dma_wait3A_83 = tpu.memref_slice %arg4[%dma_wait3A_74, %dma_wait3A_82, %mul3A_72] : memref<50x64x4096xf32, #tpu.memory_space<hbm>> -> memref<1x8x128xf32, #tpu.memory_space<hbm>>
    %dma_wait3A_84 = tpu.memref_squeeze %dma_wait3A_83 : memref<1x8x128xf32, #tpu.memory_space<hbm>> -> memref<8x128xf32, #tpu.memory_space<hbm>>
    %dma_wait3A_85 = arith.constant 0 : i32
    %dma_wait3A_86 = arith.constant 0 : i32
    %dma_wait3A_87 = tpu.memref_slice %arg8[%dma_wait3A_73, %dma_wait3A_85, %dma_wait3A_86] : memref<8x8x128xf32, #tpu.memory_space<vmem>> -> memref<1x8x128xf32, #tpu.memory_space<vmem>>
    %dma_wait3A_88 = tpu.memref_squeeze %dma_wait3A_87 : memref<1x8x128xf32, #tpu.memory_space<vmem>> -> memref<8x128xf32, #tpu.memory_space<vmem>>
    tpu.wait_dma2 semaphore(%arg12 : memref<!tpu.dma_semaphore, #tpu.memory_space<semaphore_mem>>) src(%dma_wait3A_88 : memref<8x128xf32, #tpu.memory_space<vmem>>) dst(%dma_wait3A_84 : memref<8x128xf32, #tpu.memory_space<hbm>>)
    %mul3A_89 = arith.constant 128 : i32
    %mul3A_90 = arith.muli %add3A, %mul3A_89 : i32
    %dma_wait3A_91 = arith.constant 3 : i32
    %dma_wait3A_92 = arith.constant 0 : i32
    %dma_wait3A_93 = arith.constant 0 : i32
    %dma_wait3A_94 = arith.constant 0 : i32
    %dma_wait3A_95 = tpu.memref_slice %arg8[%dma_wait3A_91, %dma_wait3A_93, %dma_wait3A_94] : memref<8x8x128xf32, #tpu.memory_space<vmem>> -> memref<1x8x128xf32, #tpu.memory_space<vmem>>
    %dma_wait3A_96 = tpu.memref_squeeze %dma_wait3A_95 : memref<1x8x128xf32, #tpu.memory_space<vmem>> -> memref<8x128xf32, #tpu.memory_space<vmem>>
    %dma_wait3A_97 = arith.constant 24 : i32
    %dma_wait3A_98 = tpu.memref_slice %arg4[%dma_wait3A_92, %dma_wait3A_97, %mul3A_90] : memref<50x64x4096xf32, #tpu.memory_space<hbm>> -> memref<1x8x128xf32, #tpu.memory_space<hbm>>
    %dma_wait3A_99 = tpu.memref_squeeze %dma_wait3A_98 : memref<1x8x128xf32, #tpu.memory_space<hbm>> -> memref<8x128xf32, #tpu.memory_space<hbm>>
    %dma_wait3A_100 = arith.constant 24 : i32
    %dma_wait3A_101 = tpu.memref_slice %arg4[%dma_wait3A_92, %dma_wait3A_100, %mul3A_90] : memref<50x64x4096xf32, #tpu.memory_space<hbm>> -> memref<1x8x128xf32, #tpu.memory_space<hbm>>
    %dma_wait3A_102 = tpu.memref_squeeze %dma_wait3A_101 : memref<1x8x128xf32, #tpu.memory_space<hbm>> -> memref<8x128xf32, #tpu.memory_space<hbm>>
    %dma_wait3A_103 = arith.constant 0 : i32
    %dma_wait3A_104 = arith.constant 0 : i32
    %dma_wait3A_105 = tpu.memref_slice %arg8[%dma_wait3A_91, %dma_wait3A_103, %dma_wait3A_104] : memref<8x8x128xf32, #tpu.memory_space<vmem>> -> memref<1x8x128xf32, #tpu.memory_space<vmem>>
    %dma_wait3A_106 = tpu.memref_squeeze %dma_wait3A_105 : memref<1x8x128xf32, #tpu.memory_space<vmem>> -> memref<8x128xf32, #tpu.memory_space<vmem>>
    tpu.wait_dma2 semaphore(%arg12 : memref<!tpu.dma_semaphore, #tpu.memory_space<semaphore_mem>>) src(%dma_wait3A_106 : memref<8x128xf32, #tpu.memory_space<vmem>>) dst(%dma_wait3A_102 : memref<8x128xf32, #tpu.memory_space<hbm>>)
    %mul3A_107 = arith.constant 128 : i32
    %mul3A_108 = arith.muli %add3A, %mul3A_107 : i32
    %dma_wait3A_109 = arith.constant 4 : i32
    %dma_wait3A_110 = arith.constant 0 : i32
    %dma_wait3A_111 = arith.constant 0 : i32
    %dma_wait3A_112 = arith.constant 0 : i32
    %dma_wait3A_113 = tpu.memref_slice %arg8[%dma_wait3A_109, %dma_wait3A_111, %dma_wait3A_112] : memref<8x8x128xf32, #tpu.memory_space<vmem>> -> memref<1x8x128xf32, #tpu.memory_space<vmem>>
    %dma_wait3A_114 = tpu.memref_squeeze %dma_wait3A_113 : memref<1x8x128xf32, #tpu.memory_space<vmem>> -> memref<8x128xf32, #tpu.memory_space<vmem>>
    %dma_wait3A_115 = arith.constant 32 : i32
    %dma_wait3A_116 = tpu.memref_slice %arg4[%dma_wait3A_110, %dma_wait3A_115, %mul3A_108] : memref<50x64x4096xf32, #tpu.memory_space<hbm>> -> memref<1x8x128xf32, #tpu.memory_space<hbm>>
    %dma_wait3A_117 = tpu.memref_squeeze %dma_wait3A_116 : memref<1x8x128xf32, #tpu.memory_space<hbm>> -> memref<8x128xf32, #tpu.memory_space<hbm>>
    %dma_wait3A_118 = arith.constant 32 : i32
    %dma_wait3A_119 = tpu.memref_slice %arg4[%dma_wait3A_110, %dma_wait3A_118, %mul3A_108] : memref<50x64x4096xf32, #tpu.memory_space<hbm>> -> memref<1x8x128xf32, #tpu.memory_space<hbm>>
    %dma_wait3A_120 = tpu.memref_squeeze %dma_wait3A_119 : memref<1x8x128xf32, #tpu.memory_space<hbm>> -> memref<8x128xf32, #tpu.memory_space<hbm>>
    %dma_wait3A_121 = arith.constant 0 : i32
    %dma_wait3A_122 = arith.constant 0 : i32
    %dma_wait3A_123 = tpu.memref_slice %arg8[%dma_wait3A_109, %dma_wait3A_121, %dma_wait3A_122] : memref<8x8x128xf32, #tpu.memory_space<vmem>> -> memref<1x8x128xf32, #tpu.memory_space<vmem>>
    %dma_wait3A_124 = tpu.memref_squeeze %dma_wait3A_123 : memref<1x8x128xf32, #tpu.memory_space<vmem>> -> memref<8x128xf32, #tpu.memory_space<vmem>>
    tpu.wait_dma2 semaphore(%arg12 : memref<!tpu.dma_semaphore, #tpu.memory_space<semaphore_mem>>) src(%dma_wait3A_124 : memref<8x128xf32, #tpu.memory_space<vmem>>) dst(%dma_wait3A_120 : memref<8x128xf32, #tpu.memory_space<hbm>>)
    %mul3A_125 = arith.constant 128 : i32
    %mul3A_126 = arith.muli %add3A, %mul3A_125 : i32
    %dma_wait3A_127 = arith.constant 5 : i32
    %dma_wait3A_128 = arith.constant 0 : i32
    %dma_wait3A_129 = arith.constant 0 : i32
    %dma_wait3A_130 = arith.constant 0 : i32
    %dma_wait3A_131 = tpu.memref_slice %arg8[%dma_wait3A_127, %dma_wait3A_129, %dma_wait3A_130] : memref<8x8x128xf32, #tpu.memory_space<vmem>> -> memref<1x8x128xf32, #tpu.memory_space<vmem>>
    %dma_wait3A_132 = tpu.memref_squeeze %dma_wait3A_131 : memref<1x8x128xf32, #tpu.memory_space<vmem>> -> memref<8x128xf32, #tpu.memory_space<vmem>>
    %dma_wait3A_133 = arith.constant 40 : i32
    %dma_wait3A_134 = tpu.memref_slice %arg4[%dma_wait3A_128, %dma_wait3A_133, %mul3A_126] : memref<50x64x4096xf32, #tpu.memory_space<hbm>> -> memref<1x8x128xf32, #tpu.memory_space<hbm>>
    %dma_wait3A_135 = tpu.memref_squeeze %dma_wait3A_134 : memref<1x8x128xf32, #tpu.memory_space<hbm>> -> memref<8x128xf32, #tpu.memory_space<hbm>>
    %dma_wait3A_136 = arith.constant 40 : i32
    %dma_wait3A_137 = tpu.memref_slice %arg4[%dma_wait3A_128, %dma_wait3A_136, %mul3A_126] : memref<50x64x4096xf32, #tpu.memory_space<hbm>> -> memref<1x8x128xf32, #tpu.memory_space<hbm>>
    %dma_wait3A_138 = tpu.memref_squeeze %dma_wait3A_137 : memref<1x8x128xf32, #tpu.memory_space<hbm>> -> memref<8x128xf32, #tpu.memory_space<hbm>>
    %dma_wait3A_139 = arith.constant 0 : i32
    %dma_wait3A_140 = arith.constant 0 : i32
    %dma_wait3A_141 = tpu.memref_slice %arg8[%dma_wait3A_127, %dma_wait3A_139, %dma_wait3A_140] : memref<8x8x128xf32, #tpu.memory_space<vmem>> -> memref<1x8x128xf32, #tpu.memory_space<vmem>>
    %dma_wait3A_142 = tpu.memref_squeeze %dma_wait3A_141 : memref<1x8x128xf32, #tpu.memory_space<vmem>> -> memref<8x128xf32, #tpu.memory_space<vmem>>
    tpu.wait_dma2 semaphore(%arg12 : memref<!tpu.dma_semaphore, #tpu.memory_space<semaphore_mem>>) src(%dma_wait3A_142 : memref<8x128xf32, #tpu.memory_space<vmem>>) dst(%dma_wait3A_138 : memref<8x128xf32, #tpu.memory_space<hbm>>)
    %mul3A_143 = arith.constant 128 : i32
    %mul3A_144 = arith.muli %add3A, %mul3A_143 : i32
    %dma_wait3A_145 = arith.constant 6 : i32
    %dma_wait3A_146 = arith.constant 0 : i32
    %dma_wait3A_147 = arith.constant 0 : i32
    %dma_wait3A_148 = arith.constant 0 : i32
    %dma_wait3A_149 = tpu.memref_slice %arg8[%dma_wait3A_145, %dma_wait3A_147, %dma_wait3A_148] : memref<8x8x128xf32, #tpu.memory_space<vmem>> -> memref<1x8x128xf32, #tpu.memory_space<vmem>>
    %dma_wait3A_150 = tpu.memref_squeeze %dma_wait3A_149 : memref<1x8x128xf32, #tpu.memory_space<vmem>> -> memref<8x128xf32, #tpu.memory_space<vmem>>
    %dma_wait3A_151 = arith.constant 48 : i32
    %dma_wait3A_152 = tpu.memref_slice %arg4[%dma_wait3A_146, %dma_wait3A_151, %mul3A_144] : memref<50x64x4096xf32, #tpu.memory_space<hbm>> -> memref<1x8x128xf32, #tpu.memory_space<hbm>>
    %dma_wait3A_153 = tpu.memref_squeeze %dma_wait3A_152 : memref<1x8x128xf32, #tpu.memory_space<hbm>> -> memref<8x128xf32, #tpu.memory_space<hbm>>
    %dma_wait3A_154 = arith.constant 48 : i32
    %dma_wait3A_155 = tpu.memref_slice %arg4[%dma_wait3A_146, %dma_wait3A_154, %mul3A_144] : memref<50x64x4096xf32, #tpu.memory_space<hbm>> -> memref<1x8x128xf32, #tpu.memory_space<hbm>>
    %dma_wait3A_156 = tpu.memref_squeeze %dma_wait3A_155 : memref<1x8x128xf32, #tpu.memory_space<hbm>> -> memref<8x128xf32, #tpu.memory_space<hbm>>
    %dma_wait3A_157 = arith.constant 0 : i32
    %dma_wait3A_158 = arith.constant 0 : i32
    %dma_wait3A_159 = tpu.memref_slice %arg8[%dma_wait3A_145, %dma_wait3A_157, %dma_wait3A_158] : memref<8x8x128xf32, #tpu.memory_space<vmem>> -> memref<1x8x128xf32, #tpu.memory_space<vmem>>
    %dma_wait3A_160 = tpu.memref_squeeze %dma_wait3A_159 : memref<1x8x128xf32, #tpu.memory_space<vmem>> -> memref<8x128xf32, #tpu.memory_space<vmem>>
    tpu.wait_dma2 semaphore(%arg12 : memref<!tpu.dma_semaphore, #tpu.memory_space<semaphore_mem>>) src(%dma_wait3A_160 : memref<8x128xf32, #tpu.memory_space<vmem>>) dst(%dma_wait3A_156 : memref<8x128xf32, #tpu.memory_space<hbm>>)
    %mul3A_161 = arith.constant 128 : i32
    %mul3A_162 = arith.muli %add3A, %mul3A_161 : i32
    %dma_wait3A_163 = arith.constant 7 : i32
    %dma_wait3A_164 = arith.constant 0 : i32
    %dma_wait3A_165 = arith.constant 0 : i32
    %dma_wait3A_166 = arith.constant 0 : i32
    %dma_wait3A_167 = tpu.memref_slice %arg8[%dma_wait3A_163, %dma_wait3A_165, %dma_wait3A_166] : memref<8x8x128xf32, #tpu.memory_space<vmem>> -> memref<1x8x128xf32, #tpu.memory_space<vmem>>
    %dma_wait3A_168 = tpu.memref_squeeze %dma_wait3A_167 : memref<1x8x128xf32, #tpu.memory_space<vmem>> -> memref<8x128xf32, #tpu.memory_space<vmem>>
    %dma_wait3A_169 = arith.constant 56 : i32
    %dma_wait3A_170 = tpu.memref_slice %arg4[%dma_wait3A_164, %dma_wait3A_169, %mul3A_162] : memref<50x64x4096xf32, #tpu.memory_space<hbm>> -> memref<1x8x128xf32, #tpu.memory_space<hbm>>
    %dma_wait3A_171 = tpu.memref_squeeze %dma_wait3A_170 : memref<1x8x128xf32, #tpu.memory_space<hbm>> -> memref<8x128xf32, #tpu.memory_space<hbm>>
    %dma_wait3A_172 = arith.constant 56 : i32
    %dma_wait3A_173 = tpu.memref_slice %arg4[%dma_wait3A_164, %dma_wait3A_172, %mul3A_162] : memref<50x64x4096xf32, #tpu.memory_space<hbm>> -> memref<1x8x128xf32, #tpu.memory_space<hbm>>
    %dma_wait3A_174 = tpu.memref_squeeze %dma_wait3A_173 : memref<1x8x128xf32, #tpu.memory_space<hbm>> -> memref<8x128xf32, #tpu.memory_space<hbm>>
    %dma_wait3A_175 = arith.constant 0 : i32
    %dma_wait3A_176 = arith.constant 0 : i32
    %dma_wait3A_177 = tpu.memref_slice %arg8[%dma_wait3A_163, %dma_wait3A_175, %dma_wait3A_176] : memref<8x8x128xf32, #tpu.memory_space<vmem>> -> memref<1x8x128xf32, #tpu.memory_space<vmem>>
    %dma_wait3A_178 = tpu.memref_squeeze %dma_wait3A_177 : memref<1x8x128xf32, #tpu.memory_space<vmem>> -> memref<8x128xf32, #tpu.memory_space<vmem>>
    tpu.wait_dma2 semaphore(%arg12 : memref<!tpu.dma_semaphore, #tpu.memory_space<semaphore_mem>>) src(%dma_wait3A_178 : memref<8x128xf32, #tpu.memory_space<vmem>>) dst(%dma_wait3A_174 : memref<8x128xf32, #tpu.memory_space<hbm>>)
    %mul3A_179 = arith.constant 128 : i32
    %mul3A_180 = arith.muli %add3A, %mul3A_179 : i32
    %dma_wait3A_181 = arith.constant 0 : i32
    %dma_wait3A_182 = arith.constant 0 : i32
    %dma_wait3A_183 = arith.constant 0 : i32
    %dma_wait3A_184 = arith.constant 0 : i32
    %dma_wait3A_185 = tpu.memref_slice %arg9[%dma_wait3A_181, %dma_wait3A_183, %dma_wait3A_184] : memref<8x8x128xf32, #tpu.memory_space<vmem>> -> memref<1x8x128xf32, #tpu.memory_space<vmem>>
    %dma_wait3A_186 = tpu.memref_squeeze %dma_wait3A_185 : memref<1x8x128xf32, #tpu.memory_space<vmem>> -> memref<8x128xf32, #tpu.memory_space<vmem>>
    %dma_wait3A_187 = arith.constant 0 : i32
    %dma_wait3A_188 = tpu.memref_slice %arg4[%dma_wait3A_182, %dma_wait3A_187, %mul3A_180] : memref<50x64x4096xf32, #tpu.memory_space<hbm>> -> memref<1x8x128xf32, #tpu.memory_space<hbm>>
    %dma_wait3A_189 = tpu.memref_squeeze %dma_wait3A_188 : memref<1x8x128xf32, #tpu.memory_space<hbm>> -> memref<8x128xf32, #tpu.memory_space<hbm>>
    %dma_wait3A_190 = arith.constant 0 : i32
    %dma_wait3A_191 = tpu.memref_slice %arg4[%dma_wait3A_182, %dma_wait3A_190, %mul3A_180] : memref<50x64x4096xf32, #tpu.memory_space<hbm>> -> memref<1x8x128xf32, #tpu.memory_space<hbm>>
    %dma_wait3A_192 = tpu.memref_squeeze %dma_wait3A_191 : memref<1x8x128xf32, #tpu.memory_space<hbm>> -> memref<8x128xf32, #tpu.memory_space<hbm>>
    %dma_wait3A_193 = arith.constant 0 : i32
    %dma_wait3A_194 = arith.constant 0 : i32
    %dma_wait3A_195 = tpu.memref_slice %arg9[%dma_wait3A_181, %dma_wait3A_193, %dma_wait3A_194] : memref<8x8x128xf32, #tpu.memory_space<vmem>> -> memref<1x8x128xf32, #tpu.memory_space<vmem>>
    %dma_wait3A_196 = tpu.memref_squeeze %dma_wait3A_195 : memref<1x8x128xf32, #tpu.memory_space<vmem>> -> memref<8x128xf32, #tpu.memory_space<vmem>>
    tpu.wait_dma2 semaphore(%arg13 : memref<!tpu.dma_semaphore, #tpu.memory_space<semaphore_mem>>) src(%dma_wait3A_196 : memref<8x128xf32, #tpu.memory_space<vmem>>) dst(%dma_wait3A_192 : memref<8x128xf32, #tpu.memory_space<hbm>>)
    %mul3A_197 = arith.constant 128 : i32
    %mul3A_198 = arith.muli %add3A, %mul3A_197 : i32
    %dma_wait3A_199 = arith.constant 1 : i32
    %dma_wait3A_200 = arith.constant 0 : i32
    %dma_wait3A_201 = arith.constant 0 : i32
    %dma_wait3A_202 = arith.constant 0 : i32
    %dma_wait3A_203 = tpu.memref_slice %arg9[%dma_wait3A_199, %dma_wait3A_201, %dma_wait3A_202] : memref<8x8x128xf32, #tpu.memory_space<vmem>> -> memref<1x8x128xf32, #tpu.memory_space<vmem>>
    %dma_wait3A_204 = tpu.memref_squeeze %dma_wait3A_203 : memref<1x8x128xf32, #tpu.memory_space<vmem>> -> memref<8x128xf32, #tpu.memory_space<vmem>>
    %dma_wait3A_205 = arith.constant 8 : i32
    %dma_wait3A_206 = tpu.memref_slice %arg4[%dma_wait3A_200, %dma_wait3A_205, %mul3A_198] : memref<50x64x4096xf32, #tpu.memory_space<hbm>> -> memref<1x8x128xf32, #tpu.memory_space<hbm>>
    %dma_wait3A_207 = tpu.memref_squeeze %dma_wait3A_206 : memref<1x8x128xf32, #tpu.memory_space<hbm>> -> memref<8x128xf32, #tpu.memory_space<hbm>>
    %dma_wait3A_208 = arith.constant 8 : i32
    %dma_wait3A_209 = tpu.memref_slice %arg4[%dma_wait3A_200, %dma_wait3A_208, %mul3A_198] : memref<50x64x4096xf32, #tpu.memory_space<hbm>> -> memref<1x8x128xf32, #tpu.memory_space<hbm>>
    %dma_wait3A_210 = tpu.memref_squeeze %dma_wait3A_209 : memref<1x8x128xf32, #tpu.memory_space<hbm>> -> memref<8x128xf32, #tpu.memory_space<hbm>>
    %dma_wait3A_211 = arith.constant 0 : i32
    %dma_wait3A_212 = arith.constant 0 : i32
    %dma_wait3A_213 = tpu.memref_slice %arg9[%dma_wait3A_199, %dma_wait3A_211, %dma_wait3A_212] : memref<8x8x128xf32, #tpu.memory_space<vmem>> -> memref<1x8x128xf32, #tpu.memory_space<vmem>>
    %dma_wait3A_214 = tpu.memref_squeeze %dma_wait3A_213 : memref<1x8x128xf32, #tpu.memory_space<vmem>> -> memref<8x128xf32, #tpu.memory_space<vmem>>
    tpu.wait_dma2 semaphore(%arg13 : memref<!tpu.dma_semaphore, #tpu.memory_space<semaphore_mem>>) src(%dma_wait3A_214 : memref<8x128xf32, #tpu.memory_space<vmem>>) dst(%dma_wait3A_210 : memref<8x128xf32, #tpu.memory_space<hbm>>)
    %mul3A_215 = arith.constant 128 : i32
    %mul3A_216 = arith.muli %add3A, %mul3A_215 : i32
    %dma_wait3A_217 = arith.constant 2 : i32
    %dma_wait3A_218 = arith.constant 0 : i32
    %dma_wait3A_219 = arith.constant 0 : i32
    %dma_wait3A_220 = arith.constant 0 : i32
    %dma_wait3A_221 = tpu.memref_slice %arg9[%dma_wait3A_217, %dma_wait3A_219, %dma_wait3A_220] : memref<8x8x128xf32, #tpu.memory_space<vmem>> -> memref<1x8x128xf32, #tpu.memory_space<vmem>>
    %dma_wait3A_222 = tpu.memref_squeeze %dma_wait3A_221 : memref<1x8x128xf32, #tpu.memory_space<vmem>> -> memref<8x128xf32, #tpu.memory_space<vmem>>
    %dma_wait3A_223 = arith.constant 16 : i32
    %dma_wait3A_224 = tpu.memref_slice %arg4[%dma_wait3A_218, %dma_wait3A_223, %mul3A_216] : memref<50x64x4096xf32, #tpu.memory_space<hbm>> -> memref<1x8x128xf32, #tpu.memory_space<hbm>>
    %dma_wait3A_225 = tpu.memref_squeeze %dma_wait3A_224 : memref<1x8x128xf32, #tpu.memory_space<hbm>> -> memref<8x128xf32, #tpu.memory_space<hbm>>
    %dma_wait3A_226 = arith.constant 16 : i32
    %dma_wait3A_227 = tpu.memref_slice %arg4[%dma_wait3A_218, %dma_wait3A_226, %mul3A_216] : memref<50x64x4096xf32, #tpu.memory_space<hbm>> -> memref<1x8x128xf32, #tpu.memory_space<hbm>>
    %dma_wait3A_228 = tpu.memref_squeeze %dma_wait3A_227 : memref<1x8x128xf32, #tpu.memory_space<hbm>> -> memref<8x128xf32, #tpu.memory_space<hbm>>
    %dma_wait3A_229 = arith.constant 0 : i32
    %dma_wait3A_230 = arith.constant 0 : i32
    %dma_wait3A_231 = tpu.memref_slice %arg9[%dma_wait3A_217, %dma_wait3A_229, %dma_wait3A_230] : memref<8x8x128xf32, #tpu.memory_space<vmem>> -> memref<1x8x128xf32, #tpu.memory_space<vmem>>
    %dma_wait3A_232 = tpu.memref_squeeze %dma_wait3A_231 : memref<1x8x128xf32, #tpu.memory_space<vmem>> -> memref<8x128xf32, #tpu.memory_space<vmem>>
    tpu.wait_dma2 semaphore(%arg13 : memref<!tpu.dma_semaphore, #tpu.memory_space<semaphore_mem>>) src(%dma_wait3A_232 : memref<8x128xf32, #tpu.memory_space<vmem>>) dst(%dma_wait3A_228 : memref<8x128xf32, #tpu.memory_space<hbm>>)
    %mul3A_233 = arith.constant 128 : i32
    %mul3A_234 = arith.muli %add3A, %mul3A_233 : i32
    %dma_wait3A_235 = arith.constant 3 : i32
    %dma_wait3A_236 = arith.constant 0 : i32
    %dma_wait3A_237 = arith.constant 0 : i32
    %dma_wait3A_238 = arith.constant 0 : i32
    %dma_wait3A_239 = tpu.memref_slice %arg9[%dma_wait3A_235, %dma_wait3A_237, %dma_wait3A_238] : memref<8x8x128xf32, #tpu.memory_space<vmem>> -> memref<1x8x128xf32, #tpu.memory_space<vmem>>
    %dma_wait3A_240 = tpu.memref_squeeze %dma_wait3A_239 : memref<1x8x128xf32, #tpu.memory_space<vmem>> -> memref<8x128xf32, #tpu.memory_space<vmem>>
    %dma_wait3A_241 = arith.constant 24 : i32
    %dma_wait3A_242 = tpu.memref_slice %arg4[%dma_wait3A_236, %dma_wait3A_241, %mul3A_234] : memref<50x64x4096xf32, #tpu.memory_space<hbm>> -> memref<1x8x128xf32, #tpu.memory_space<hbm>>
    %dma_wait3A_243 = tpu.memref_squeeze %dma_wait3A_242 : memref<1x8x128xf32, #tpu.memory_space<hbm>> -> memref<8x128xf32, #tpu.memory_space<hbm>>
    %dma_wait3A_244 = arith.constant 24 : i32
    %dma_wait3A_245 = tpu.memref_slice %arg4[%dma_wait3A_236, %dma_wait3A_244, %mul3A_234] : memref<50x64x4096xf32, #tpu.memory_space<hbm>> -> memref<1x8x128xf32, #tpu.memory_space<hbm>>
    %dma_wait3A_246 = tpu.memref_squeeze %dma_wait3A_245 : memref<1x8x128xf32, #tpu.memory_space<hbm>> -> memref<8x128xf32, #tpu.memory_space<hbm>>
    %dma_wait3A_247 = arith.constant 0 : i32
    %dma_wait3A_248 = arith.constant 0 : i32
    %dma_wait3A_249 = tpu.memref_slice %arg9[%dma_wait3A_235, %dma_wait3A_247, %dma_wait3A_248] : memref<8x8x128xf32, #tpu.memory_space<vmem>> -> memref<1x8x128xf32, #tpu.memory_space<vmem>>
    %dma_wait3A_250 = tpu.memref_squeeze %dma_wait3A_249 : memref<1x8x128xf32, #tpu.memory_space<vmem>> -> memref<8x128xf32, #tpu.memory_space<vmem>>
    tpu.wait_dma2 semaphore(%arg13 : memref<!tpu.dma_semaphore, #tpu.memory_space<semaphore_mem>>) src(%dma_wait3A_250 : memref<8x128xf32, #tpu.memory_space<vmem>>) dst(%dma_wait3A_246 : memref<8x128xf32, #tpu.memory_space<hbm>>)
    %mul3A_251 = arith.constant 128 : i32
    %mul3A_252 = arith.muli %add3A, %mul3A_251 : i32
    %dma_wait3A_253 = arith.constant 4 : i32
    %dma_wait3A_254 = arith.constant 0 : i32
    %dma_wait3A_255 = arith.constant 0 : i32
    %dma_wait3A_256 = arith.constant 0 : i32
    %dma_wait3A_257 = tpu.memref_slice %arg9[%dma_wait3A_253, %dma_wait3A_255, %dma_wait3A_256] : memref<8x8x128xf32, #tpu.memory_space<vmem>> -> memref<1x8x128xf32, #tpu.memory_space<vmem>>
    %dma_wait3A_258 = tpu.memref_squeeze %dma_wait3A_257 : memref<1x8x128xf32, #tpu.memory_space<vmem>> -> memref<8x128xf32, #tpu.memory_space<vmem>>
    %dma_wait3A_259 = arith.constant 32 : i32
    %dma_wait3A_260 = tpu.memref_slice %arg4[%dma_wait3A_254, %dma_wait3A_259, %mul3A_252] : memref<50x64x4096xf32, #tpu.memory_space<hbm>> -> memref<1x8x128xf32, #tpu.memory_space<hbm>>
    %dma_wait3A_261 = tpu.memref_squeeze %dma_wait3A_260 : memref<1x8x128xf32, #tpu.memory_space<hbm>> -> memref<8x128xf32, #tpu.memory_space<hbm>>
    %dma_wait3A_262 = arith.constant 32 : i32
    %dma_wait3A_263 = tpu.memref_slice %arg4[%dma_wait3A_254, %dma_wait3A_262, %mul3A_252] : memref<50x64x4096xf32, #tpu.memory_space<hbm>> -> memref<1x8x128xf32, #tpu.memory_space<hbm>>
    %dma_wait3A_264 = tpu.memref_squeeze %dma_wait3A_263 : memref<1x8x128xf32, #tpu.memory_space<hbm>> -> memref<8x128xf32, #tpu.memory_space<hbm>>
    %dma_wait3A_265 = arith.constant 0 : i32
    %dma_wait3A_266 = arith.constant 0 : i32
    %dma_wait3A_267 = tpu.memref_slice %arg9[%dma_wait3A_253, %dma_wait3A_265, %dma_wait3A_266] : memref<8x8x128xf32, #tpu.memory_space<vmem>> -> memref<1x8x128xf32, #tpu.memory_space<vmem>>
    %dma_wait3A_268 = tpu.memref_squeeze %dma_wait3A_267 : memref<1x8x128xf32, #tpu.memory_space<vmem>> -> memref<8x128xf32, #tpu.memory_space<vmem>>
    tpu.wait_dma2 semaphore(%arg13 : memref<!tpu.dma_semaphore, #tpu.memory_space<semaphore_mem>>) src(%dma_wait3A_268 : memref<8x128xf32, #tpu.memory_space<vmem>>) dst(%dma_wait3A_264 : memref<8x128xf32, #tpu.memory_space<hbm>>)
    %mul3A_269 = arith.constant 128 : i32
    %mul3A_270 = arith.muli %add3A, %mul3A_269 : i32
    %dma_wait3A_271 = arith.constant 5 : i32
    %dma_wait3A_272 = arith.constant 0 : i32
    %dma_wait3A_273 = arith.constant 0 : i32
    %dma_wait3A_274 = arith.constant 0 : i32
    %dma_wait3A_275 = tpu.memref_slice %arg9[%dma_wait3A_271, %dma_wait3A_273, %dma_wait3A_274] : memref<8x8x128xf32, #tpu.memory_space<vmem>> -> memref<1x8x128xf32, #tpu.memory_space<vmem>>
    %dma_wait3A_276 = tpu.memref_squeeze %dma_wait3A_275 : memref<1x8x128xf32, #tpu.memory_space<vmem>> -> memref<8x128xf32, #tpu.memory_space<vmem>>
    %dma_wait3A_277 = arith.constant 40 : i32
    %dma_wait3A_278 = tpu.memref_slice %arg4[%dma_wait3A_272, %dma_wait3A_277, %mul3A_270] : memref<50x64x4096xf32, #tpu.memory_space<hbm>> -> memref<1x8x128xf32, #tpu.memory_space<hbm>>
    %dma_wait3A_279 = tpu.memref_squeeze %dma_wait3A_278 : memref<1x8x128xf32, #tpu.memory_space<hbm>> -> memref<8x128xf32, #tpu.memory_space<hbm>>
    %dma_wait3A_280 = arith.constant 40 : i32
    %dma_wait3A_281 = tpu.memref_slice %arg4[%dma_wait3A_272, %dma_wait3A_280, %mul3A_270] : memref<50x64x4096xf32, #tpu.memory_space<hbm>> -> memref<1x8x128xf32, #tpu.memory_space<hbm>>
    %dma_wait3A_282 = tpu.memref_squeeze %dma_wait3A_281 : memref<1x8x128xf32, #tpu.memory_space<hbm>> -> memref<8x128xf32, #tpu.memory_space<hbm>>
    %dma_wait3A_283 = arith.constant 0 : i32
    %dma_wait3A_284 = arith.constant 0 : i32
    %dma_wait3A_285 = tpu.memref_slice %arg9[%dma_wait3A_271, %dma_wait3A_283, %dma_wait3A_284] : memref<8x8x128xf32, #tpu.memory_space<vmem>> -> memref<1x8x128xf32, #tpu.memory_space<vmem>>
    %dma_wait3A_286 = tpu.memref_squeeze %dma_wait3A_285 : memref<1x8x128xf32, #tpu.memory_space<vmem>> -> memref<8x128xf32, #tpu.memory_space<vmem>>
    tpu.wait_dma2 semaphore(%arg13 : memref<!tpu.dma_semaphore, #tpu.memory_space<semaphore_mem>>) src(%dma_wait3A_286 : memref<8x128xf32, #tpu.memory_space<vmem>>) dst(%dma_wait3A_282 : memref<8x128xf32, #tpu.memory_space<hbm>>)
    %mul3A_287 = arith.constant 128 : i32
    %mul3A_288 = arith.muli %add3A, %mul3A_287 : i32
    %dma_wait3A_289 = arith.constant 6 : i32
    %dma_wait3A_290 = arith.constant 0 : i32
    %dma_wait3A_291 = arith.constant 0 : i32
    %dma_wait3A_292 = arith.constant 0 : i32
    %dma_wait3A_293 = tpu.memref_slice %arg9[%dma_wait3A_289, %dma_wait3A_291, %dma_wait3A_292] : memref<8x8x128xf32, #tpu.memory_space<vmem>> -> memref<1x8x128xf32, #tpu.memory_space<vmem>>
    %dma_wait3A_294 = tpu.memref_squeeze %dma_wait3A_293 : memref<1x8x128xf32, #tpu.memory_space<vmem>> -> memref<8x128xf32, #tpu.memory_space<vmem>>
    %dma_wait3A_295 = arith.constant 48 : i32
    %dma_wait3A_296 = tpu.memref_slice %arg4[%dma_wait3A_290, %dma_wait3A_295, %mul3A_288] : memref<50x64x4096xf32, #tpu.memory_space<hbm>> -> memref<1x8x128xf32, #tpu.memory_space<hbm>>
    %dma_wait3A_297 = tpu.memref_squeeze %dma_wait3A_296 : memref<1x8x128xf32, #tpu.memory_space<hbm>> -> memref<8x128xf32, #tpu.memory_space<hbm>>
    %dma_wait3A_298 = arith.constant 48 : i32
    %dma_wait3A_299 = tpu.memref_slice %arg4[%dma_wait3A_290, %dma_wait3A_298, %mul3A_288] : memref<50x64x4096xf32, #tpu.memory_space<hbm>> -> memref<1x8x128xf32, #tpu.memory_space<hbm>>
    %dma_wait3A_300 = tpu.memref_squeeze %dma_wait3A_299 : memref<1x8x128xf32, #tpu.memory_space<hbm>> -> memref<8x128xf32, #tpu.memory_space<hbm>>
    %dma_wait3A_301 = arith.constant 0 : i32
    %dma_wait3A_302 = arith.constant 0 : i32
    %dma_wait3A_303 = tpu.memref_slice %arg9[%dma_wait3A_289, %dma_wait3A_301, %dma_wait3A_302] : memref<8x8x128xf32, #tpu.memory_space<vmem>> -> memref<1x8x128xf32, #tpu.memory_space<vmem>>
    %dma_wait3A_304 = tpu.memref_squeeze %dma_wait3A_303 : memref<1x8x128xf32, #tpu.memory_space<vmem>> -> memref<8x128xf32, #tpu.memory_space<vmem>>
    tpu.wait_dma2 semaphore(%arg13 : memref<!tpu.dma_semaphore, #tpu.memory_space<semaphore_mem>>) src(%dma_wait3A_304 : memref<8x128xf32, #tpu.memory_space<vmem>>) dst(%dma_wait3A_300 : memref<8x128xf32, #tpu.memory_space<hbm>>)
    %mul3A_305 = arith.constant 128 : i32
    %mul3A_306 = arith.muli %add3A, %mul3A_305 : i32
    %dma_wait3A_307 = arith.constant 7 : i32
    %dma_wait3A_308 = arith.constant 0 : i32
    %dma_wait3A_309 = arith.constant 0 : i32
    %dma_wait3A_310 = arith.constant 0 : i32
    %dma_wait3A_311 = tpu.memref_slice %arg9[%dma_wait3A_307, %dma_wait3A_309, %dma_wait3A_310] : memref<8x8x128xf32, #tpu.memory_space<vmem>> -> memref<1x8x128xf32, #tpu.memory_space<vmem>>
    %dma_wait3A_312 = tpu.memref_squeeze %dma_wait3A_311 : memref<1x8x128xf32, #tpu.memory_space<vmem>> -> memref<8x128xf32, #tpu.memory_space<vmem>>
    %dma_wait3A_313 = arith.constant 56 : i32
    %dma_wait3A_314 = tpu.memref_slice %arg4[%dma_wait3A_308, %dma_wait3A_313, %mul3A_306] : memref<50x64x4096xf32, #tpu.memory_space<hbm>> -> memref<1x8x128xf32, #tpu.memory_space<hbm>>
    %dma_wait3A_315 = tpu.memref_squeeze %dma_wait3A_314 : memref<1x8x128xf32, #tpu.memory_space<hbm>> -> memref<8x128xf32, #tpu.memory_space<hbm>>
    %dma_wait3A_316 = arith.constant 56 : i32
    %dma_wait3A_317 = tpu.memref_slice %arg4[%dma_wait3A_308, %dma_wait3A_316, %mul3A_306] : memref<50x64x4096xf32, #tpu.memory_space<hbm>> -> memref<1x8x128xf32, #tpu.memory_space<hbm>>
    %dma_wait3A_318 = tpu.memref_squeeze %dma_wait3A_317 : memref<1x8x128xf32, #tpu.memory_space<hbm>> -> memref<8x128xf32, #tpu.memory_space<hbm>>
    %dma_wait3A_319 = arith.constant 0 : i32
    %dma_wait3A_320 = arith.constant 0 : i32
    %dma_wait3A_321 = tpu.memref_slice %arg9[%dma_wait3A_307, %dma_wait3A_319, %dma_wait3A_320] : memref<8x8x128xf32, #tpu.memory_space<vmem>> -> memref<1x8x128xf32, #tpu.memory_space<vmem>>
    %dma_wait3A_322 = tpu.memref_squeeze %dma_wait3A_321 : memref<1x8x128xf32, #tpu.memory_space<vmem>> -> memref<8x128xf32, #tpu.memory_space<vmem>>
    tpu.wait_dma2 semaphore(%arg13 : memref<!tpu.dma_semaphore, #tpu.memory_space<semaphore_mem>>) src(%dma_wait3A_322 : memref<8x128xf32, #tpu.memory_space<vmem>>) dst(%dma_wait3A_318 : memref<8x128xf32, #tpu.memory_space<hbm>>)
    return
  }
}

</mosaic_0001>

<sc_bundles>
// kernel: kernel.3.cloned.1.call-start
scs
__scs_entry_jumppad:
0x0: {  	(pc) =	sbr.rel $0x88, $3  }
0x1: {  	(tag) =	ssettag $0x0;
	lr =	simm.s32 $0x1  }
0x2: {  	[smem:$0x3F9F] =	sst lr;
	_ =	strace $0xD0000000  }
0x3: {  	_ = 	snop  }
0x4: {  	_ = 	snop  }
0x5: {  	_ = 	snop  }
0x6: {  	_ = 	snop  }
0x7: {  	_ = 	snop  }
__scs_overlays_trampoline_lowered:
0x8: {  	[smem:$0x3FAE] =	sst s0  }
0x9: {  	[smem:$0x3FAF] =	sst s1  }
0xa: {  	[smem:$0x3FB0] =	sst s2  }
0xb: {  	[smem:$0x3FB1] =	sst s3  }
0xc: {  	[smem:$0x3FB2] =	sst s4  }
0xd: {  	[smem:$0x3FB3] =	sst s5  }
0xe: {  	[smem:$0x3FB4] =	sst s6  }
0xf: {  	[smem:$0x3FB5] =	sst s7  }
0x10: {  	[smem:$0x3FB6] =	sst s8  }
0x11: {  	[smem:$0x3FB7] =	sst s9;
	s0 =	simm.s32 @!p0 $0x0  }
0x12: {  	s1 =	sld [smem:$0x3F9D];
	s0 =	simm.s32 @p0 $0x1  }
0x13: {  	[smem:$0x3FB8] =	sst s0;
	s0 =	simm.s32 @!p1 $0x0  }
0x14: {  	s2 =	sld [smem:$0x3F9C];
	s0 =	simm.s32 @p1 $0x1  }
0x15: {  	[smem:$0x3FB9] =	sst s0;
	s0 =	simm.s32 @!p2 $0x0  }
0x16: {  	s3 =	sld [smem:$0x3FDB];
	s0 =	simm.s32 @p2 $0x1  }
0x17: {  	s4 =	simm.s32 $0x1BF5;
	[smem:$0x3FBB] =	sst s0  }
0x18: {  	s0 =	sld [smem:$0x3F9E];
	_ =	swait.ge [sflag:s4], $0x0  }
0x19: {  	s7 =	sld [smem:$0x3F9F]  }
0x1a: {  	s8 =	sadd.s32 $0xFFFFE003, lr  }
0x1b: {  	s9 =	sadd.s32 $0xFFFFFEF7, lr;
	s5 =	simm.s32 $0xFFFFFFFF;
	p2 =	slt.u32 s8, $0xFFFFF086  }
0x1c: {  	p1 =	slt.u32 s9, $0xF7A;
	s5 =	simm.s32 @!p2 $0x0  }
0x1d: {  	s5 =	simm.s32 @p1 $0x1;
	p0 =	seq.s32 s7, s2  }
0x1e: {  	s7 =	smul.u32 @!p0 $0xF7A, s2;
	p2 =	seq.s32 @!p0 s5, $0x0  }
0x1f: {  	s9 =	smul.u32 $0xF7A, s1;
	s8 =	simm.s32 @!p0 $0x1BF5;
	p2 =	por !p2, p0  }
0x20: {  	[sflag:s8] =	ssyncset.s32 @!p0 $0xFFFFF086;
	s6 =	sadd.s32 @!p0 s3, s7;
	s7 =	simm.s32 @!p0 $0x108  }
0x21: {  	s3 =	sadd.s32 s3, s9;
	s6 =	sadd.s32 @!p0 $0x88, s6;
	s7 =	simm.s32 @p2 $0x1082  }
0x22: {  	[simem:s7], [sflag:s8] =	dma.local @!p0 [hbm:s6], $0xF7A  }
0x23: {  	s9 =	sor.u32 $0xD0000000, s2;
	s6 =	simm.s32 $0x108;
	_ =	swait.ge @!p0 [sflag:s8], $0x0  }
0x24: {  	s3 =	sadd.s32 $0x88, s3;
	s6 =	simm.s32 @!p1 $0x1082;
	[sflag:s4] =	ssyncset.s32 $0xFFFFF086  }
0x25: {  	[simem:s6], [sflag:s4] =	dma.local [hbm:s3], $0xF7A  }
0x26: {  	[smem:$0x3F9F] =	sst s1;
	(tag) =	ssettag s2;
	_ =	strace s9  }
0x27: {  	s1 =	sld [smem:$0x3FAF]  }
0x28: {  	s2 =	sld [smem:$0x3FB0]  }
0x29: {  	s4 =	sld [smem:$0x3FB2]  }
0x2a: {  	p0 =	seq.s32 s5, $0x0;
	s5 =	sld [smem:$0x3FB3]  }
0x2b: {  	s6 =	sld [smem:$0x3FB4]  }
0x2c: {  	s7 =	sld [smem:$0x3FB5]  }
0x2d: {  	s3 =	simm.s32 $0x108;
	s8 =	sld [smem:$0x3FB6]  }
0x2e: {  	s3 =	simm.s32 @!p0 $0x1082;
	s9 =	sld [smem:$0x3FB7]  }
0x2f: {  	lr =	sadd.s32 s0, s3;
	s0 =	sld [smem:$0x3FAE]  }
0x30: {  	s3 =	sld [smem:$0x3FB1]  }
0x31: {  	[smem:$0x3FBA] =	sst s10  }
0x32: {  	s10 =	sld [smem:$0x3FB8];
	_ =	sdelay $0x3  }
0x33: {  	p0 =	seq.s32 s10, $0x1;
	s10 =	sld [smem:$0x3FBA];
	_ =	sdelay $0x3  }
0x34: {  	[smem:$0x3FBA] =	sst s10  }
0x35: {  	s10 =	sld [smem:$0x3FB9];
	_ =	sdelay $0x3  }
0x36: {  	p1 =	seq.s32 s10, $0x1;
	s10 =	sld [smem:$0x3FBA];
	_ =	sdelay $0x3  }
0x37: {  	[smem:$0x3FBA] =	sst s10  }
0x38: {  	s10 =	sld [smem:$0x3FBB]  }
0x39: {  	_ = 	snop;
	(pc) =	sbr.ind lr, $3  }
0x3a: {  	_ = 	snop  }
0x3b: {  	_ = 	snop  }
0x3c: {  	p2 =	seq.s32 s10, $0x1;
	s10 =	sld [smem:$0x3FBA]  }
0x3d: {  	_ =	shalt  }
0x3e: {  	_ =	shalt  }
0x3f: {  	_ =	shalt  }
0x40: {  	_ =	shalt  }
0x41: {  	_ =	shalt  }
0x42: {  	_ =	shalt  }
0x43: {  	_ =	shalt  }
0x44: {  	_ =	shalt  }
0x45: {  	_ =	shalt  }
0x46: {  	_ =	shalt  }
0x47: {  	_ =	shalt  }
0x48: {  	_ =	shalt  }
0x49: {  	_ =	shalt  }
0x4a: {  	_ =	shalt  }
0x4b: {  	_ =	shalt  }
0x4c: {  	_ =	shalt  }
0x4d: {  	_ =	shalt  }
0x4e: {  	_ =	shalt  }
0x4f: {  	_ =	shalt  }
0x50: {  	_ =	shalt  }
0x51: {  	_ =	shalt  }
0x52: {  	_ =	shalt  }
0x53: {  	_ =	shalt  }
0x54: {  	_ =	shalt  }
0x55: {  	_ =	shalt  }
0x56: {  	_ =	shalt  }
0x57: {  	_ =	shalt  }
0x58: {  	_ =	shalt  }
0x59: {  	_ =	shalt  }
0x5a: {  	_ =	shalt  }
0x5b: {  	_ =	shalt  }
0x5c: {  	_ =	shalt  }
0x5d: {  	_ =	shalt  }
0x5e: {  	_ =	shalt  }
0x5f: {  	_ =	shalt  }
0x60: {  	_ =	shalt  }
0x61: {  	_ =	shalt  }
0x62: {  	_ =	shalt  }
0x63: {  	_ =	shalt  }
0x64: {  	_ =	shalt  }
0x65: {  	_ =	shalt  }
0x66: {  	_ =	shalt  }
0x67: {  	_ =	shalt  }
0x68: {  	_ =	shalt  }
0x69: {  	_ =	shalt  }
0x6a: {  	_ =	shalt  }
0x6b: {  	_ =	shalt  }
0x6c: {  	_ =	shalt  }
0x6d: {  	_ =	shalt  }
0x6e: {  	_ =	shalt  }
0x6f: {  	_ =	shalt  }
0x70: {  	_ =	shalt  }
0x71: {  	_ =	shalt  }
0x72: {  	_ =	shalt  }
0x73: {  	_ =	shalt  }
0x74: {  	_ =	shalt  }
0x75: {  	_ =	shalt  }
0x76: {  	_ =	shalt  }
0x77: {  	_ =	shalt  }
0x78: {  	_ =	shalt  }
0x79: {  	_ =	shalt  }
0x7a: {  	_ =	shalt  }
0x7b: {  	_ =	shalt  }
0x7c: {  	_ =	shalt  }
0x7d: {  	_ =	shalt  }
0x7e: {  	_ =	shalt  }
0x7f: {  	_ =	shalt  }
0x80: {  	_ =	shalt  }
0x81: {  	_ =	shalt  }
0x82: {  	_ =	shalt  }
0x83: {  	_ =	shalt  }
0x84: {  	_ =	shalt  }
0x85: {  	_ =	shalt  }
0x86: {  	_ =	shalt  }
0x87: {  	_ =	shalt  }
.Lfunc_end0:
.L_simem_size_0:
called_computation_lowered:
.L_overlay_start_0:
0x88: {  	s2 =	sld [smem:$0x3FD9]  }
0x89: {  	s3 =	sld [smem:$0x3FFE];
	_ =	sdelay $0x1  }
0x8a: {  	s1 =	srdreg.scid  }
0x8b: {  	s0 =	sand.u32 $0x1, s1  }
0x8c: {  	s17 =	sshll.u32 s0, $0xA;
	s2 =	sadd.s32 s3, s2  }
0x8d: {  	s2 =	sadd.s32 s2, s17  }
0x8e: {  	[smem:$0x3FC6] =	sst s2  }
0x8f: {  	_ = 	snop  }
0x90: {  	s2 =	sld [smem:$0x3FD0];
	(tm) =	ssettm $0x1  }
0x91: {  	s18 =	sld [smem:$0x3FFB];
	_ =	sdelay $0x3  }
0x92: {  	_ =	strace s18  }
0x93: {  	s3 =	sld [smem:$0x3FFC];
	_ =	sdelay $0x3  }
0x94: {  	_ =	strace s3  }
0x95: {  	s3 =	sld [smem:$0x3FFD];
	_ =	sdelay $0x3  }
0x96: {  	_ =	strace s3  }
0x97: {  	_ =	strace $0x8FFFFFFF  }
0x98: {  	s19 =	sld [smem:$0x3FDB];
	_ =	sdelay $0x1  }
0x99: {  	s4 =	simm.s32 $_scs_section_size  }
0x9a: {  	s5 =	simm.s32 $_size__tile_overlayer_lowered;
	s6 =	simm.s32 $_tile_overlayer_lowered  }
0x9b: {  	s22 =	simm.s32 $0x1BFF;
	s21 =	sshll.u32 s6, $0x1;
	s3 =	sadd.s32 s4, s19  }
0x9c: {  	s7 =	simm.s32 $0x0;
	s20 =	sshll.u32 s5, $0x1;
	s5 =	sadd.s32 s21, s3  }
0x9d: {  	[timem:s7], [sflag:s22] =	dma.local [hbm:s5], s20  }
0x9e: {  	_ =	swait.ge [sflag:s22], s20  }
0x9f: {  	s4 =	ssub.s32 $0x0, s20;
	[sflag:s22] =	ssyncset.done $0x0  }
0xa0: {  	[sflag:s22] =	ssyncadd.s32 s4;
	_ =	sdelay $0x1  }
0xa1: {  	s23 =	simm.s32 $0x1B8B  }
0xa2: {  	_ =	swait.ge [sflag:s23], $0x1  }
0xa3: {  	[sflag:s23] =	ssyncset.done $0x0  }
0xa4: {  	s25 =	simm.s32 $0x1B8E;
	s24 =	sld [smem:$0x3FFE];
	[sflag:s23] =	ssyncadd.s32 $0xFFFFFFFF  }
0xa5: {  	s26 =	simm.s32 $execute0_lowered;
	[smem:$0x3FD2] =	sst s25  }
0xa6: {  	s5 =	sshll.u32 s26, $0x1;
	_ =	strace $0x80000046;
	[dreg:$0x1] =	wrdreg $0xFFFFFFFF  }
0xa7: {  	s28 =	simm.s32 $_size_execute0_lowered;
	s3 =	sadd.s32 s3, s5;
	[dreg:$0x0] =	wrdreg $0x0  }
0xa8: {  	s5 =	sshll.u32 s28, $0x1;
	[dreg:$0x2] =	wrdreg s3  }
0xa9: {  	[dreg:$0x3] =	wrdreg s5  }
0xaa: {  	[dreg:$0x4] =	wrdreg $0xC0  }
0xab: {  	_ =	task [dreg:s7], $0x5FFFF  }
0xac: {  	[dreg:$0x1] =	wrdreg $0xFFFFFFFF  }
0xad: {  	[dreg:$0x0] =	wrdreg $0x60  }
0xae: {  	[dreg:$0x2] =	wrdreg s24  }
0xaf: {  	[dreg:$0x3] =	wrdreg s2  }
0xb0: {  	[dreg:$0x4] =	wrdreg $0x9  }
0xb1: {  	_ =	task.clear_ibuf [dreg:s7], $0x5FFFF;
	_ =	strace $0x90000046  }
0xb2: {  	s29 =	simm.s32 $0x9;
	_ =	strace $0x80000048  }
0xb3: {  	_ =	swait.ge [sflag:s29], $0x1  }
0xb4: {  	[sflag:s29] =	ssyncadd.s32 $0xFFFFFFFF  }
0xb5: {  	_ =	strace $0x90000048  }
0xb6: {  	_ =	sfence  }
0xb7: {  	s30 =	sld [smem:$0x0];
	_ =	sdelay $0x2  }
0xb8: {  	s31 =	sshll.u32 s1, $0xD;
	s1 =	sshrl.u32 s1, $0x2  }
0xb9: {  	s3 =	sand.u32 $0x4000, s31;
	s1 =	sadd.s32 s1, s30  }
0xba: {  	s0 =	sor.u32 s3, s0;
	s1 =	sshll.u32 s1, $0x11  }
0xbb: {  	s0 =	sor.u32 s1, s0  }
0xbc: {  	s0 =	sadd.s32 $0x8F2B, s0  }
0xbd: {  	[sflag:s0] =	ssyncadd.remote.s32 $0x1  }
0xbe: {  	_ =	sfence.sel $0xFFFF  }
0xbf: {  	[dreg:$0x0] =	wrdreg $0xFFFFFFFF;
	(pc) =	sbr.abs _section_cstart, $3  }
0xc0: {  	[dreg:$0x1] =	wrdreg $0xFFFFFFFF  }
0xc1: {  	_ =	task.clear_ibuf [dreg:s7], $0x2FFFF;
	_ =	strace $0x9FFFFFFF  }
0xc2: {  	(tm) =	ssettm $0x7FFFFFFF  }
0xc3: {  	_ =	shalt  }
tec
execute0_lowered:
.L_overlay_start_1:
0x0: {  	(tag) =	ssettag $0x1  }
0x1: {  	s0 =	rddreg [dreg:$0x0]  }
0x2: {  	s2 =	rddreg [dreg:$0x1];
	s1 =	srdreg.scid  }
0x3: {  	s4 =	stileid.u32;
	s3 =	simm.s32 $0x0;
	s15 =	simm.s32 $0x80  }
0x4: {  	s18 =	simm.s32 $0x1C00;
	s19 =	simm.s32 $0x5C00;
	s20 =	simm.s32 $0x1  }
0x5: {  	s30 =	simm.s32 $0x2;
	s31 =	simm.s32 $0x4;
	s16 =	simm.s32 $0xC400  }
0x6: {  	s14 =	simm.s32 $0xCC00;
	s17 =	simm.s32 $0xD000;
	s21 =	simm.s32 $0xD400  }
0x7: {  	s22 =	simm.s32 $0xD800;
	s23 =	simm.s32 $0x0;
	s1 =	sand.u32 $0x1, s1  }
0x8: {  	s4 =	sshll.u32 s4, $0x1;
	[smem:$0x7FF] =	sst s3;
	s8 =	sadd.s32 $0x2000, s2  }
0x9: {  	s9 =	sadd.s32 $0x3000, s2;
	s10 =	sadd.s32 $0x4000, s2;
	s11 =	sadd.s32 $0x5000, s2  }
0xa: {  	v0 =	vlaneseq.u32;
	s12 =	sadd.s32 $0x6000, s2;
	s13 =	sadd.s32 $0x7000, s2;
	s5 =	sor.u32 s1, s4  }
0xb: {  	v0 =	vmul.u32 $0x80, v0;
	s1 =	ssub.s32 $0x2, s1;
	_ =	strace $0x80000047;
	s4 =	sshll.u32 s5, $0x4  }
0xc: {  	s6 =	sshrl.u32 s1, $0x1;
	s7 =	sadd.s32 s4, s0;
	s4 =	sadd.s32 $0xF48E00, s0  }
0xd: {  	v1 =	vor.u32 $0x800, v0;
	s28 =	ssub.s32 s1, s6;
	s6 =	sshll.u32 s5, $0xA;
	s29 =	sadd.s32 $0xF42A00, s7  }
0xe: {  	v2 =	vor.u32 $0x1000, v0;
	v3 =	vor.u32 $0x1800, v0;
	v4 =	vor.u32 $0x2000, v0;
	s1 =	simm.s32 $0xC000;
	s0 =	smax.u32 s28, $0x1;
	[dreg:$0x3] =	wrdreg s29  }
0xf: {  	v5 =	vor.u32 $0x2800, v0;
	v6 =	vor.u32 $0x3000, v0;
	v7 =	vor.u32 $0x3800, v0;
	s5 =	simm.s32 $0xC800;
	s7 =	sadd.s32 $0x1000, s2;
	[dreg:$0x4] =	wrdreg s0  }
.LBB2_1:
0x10: {  	[dreg:$0x5] =	wrdreg s23  }
0x11: {  	s0 =	rddreg [dreg:$0x3];
	s28 =	simm.s32 $0x1000;
	s29 =	simm.s32 $0x5  }
0x12: {  	[tilespmem:s3], [sflag:$0x5] =	stream.strided.gather [hbm4b:s0+s15], $0x1900, s28, s15, $0x38;
	[tilespmem:$0xDC00] =	vst v63  }
0x13: {  	_ =	swait.ge [sflag:s29], $0x1900  }
0x14: {  	[sflag:s29] =	ssyncset.done $0x0  }
0x15: {  	s23 =	simm.s32 $0x0;
	[sflag:s29] =	ssyncadd.s32 $0xFFFFE700  }
0x16: {  	[tilespmem:s18], [sflag:$0x1] =	stream.indirect.gather [hbm4b:s4+s15], $0x80, s3, s15, $0xb8;
	[tilespmem:$0xDC00] =	vst v63  }
.LBB2_2:
0x17: {  	s24 =	sshllo.u32 s23, $0x1  }
0x18: {  	s0 =	sshll.u32 s24, $0x7  }
0x19: {  	s0 =	sand.u32 $0x3FFFFF80, s0  }
0x1a: {  	[tilespmem:s19], [sflag:$0x2] =	stream.indirect.gather [hbm4b:s4+s15], $0x80, s0, s15, $0xb8;
	[tilespmem:$0xDC00] =	vst v63  }
0x1b: {  	_ =	swait.ge [sflag:s20], $0x4000  }
0x1c: {  	p0 =	seq.s32 s23, $0x0;
	[sflag:s20] =	ssyncset.done $0x0  }
0x1d: {  	s0 =	simm.s32 @!p0 $0x3;
	[sflag:s20] =	ssyncadd.s32 $0xFFFFC000  }
0x1e: {  	_ =	swait.ge @!p0 [sflag:s0], $0x400  }
0x1f: {  	[sflag:s0] =	ssyncset.done @!p0 $0x0  }
0x20: {  	[sflag:s0] =	ssyncadd.s32 @!p0 $0xFFFFFC00  }
0x21: {  	_ =	swait.ge @!p0 [sflag:s0], $0x400  }
0x22: {  	[sflag:s0] =	ssyncset.done @!p0 $0x0  }
0x23: {  	[sflag:s0] =	ssyncadd.s32 @!p0 $0xFFFFFC00  }
0x24: {  	_ =	swait.ge @!p0 [sflag:s0], $0x400  }
0x25: {  	[sflag:s0] =	ssyncset.done @!p0 $0x0  }
0x26: {  	[sflag:s0] =	ssyncadd.s32 @!p0 $0xFFFFFC00  }
0x27: {  	_ =	swait.ge @!p0 [sflag:s0], $0x400  }
0x28: {  	[sflag:s0] =	ssyncset.done @!p0 $0x0  }
0x29: {  	[sflag:s0] =	ssyncadd.s32 @!p0 $0xFFFFFC00  }
0x2a: {  	_ =	swait.ge @!p0 [sflag:s0], $0x400  }
0x2b: {  	[sflag:s0] =	ssyncset.done @!p0 $0x0  }
0x2c: {  	s25 =	simm.s32 $0x3;
	[sflag:s0] =	ssyncadd.s32 @!p0 $0xFFFFFC00  }
0x2d: {  	s26 =	simm.s32 $0x1;
	v8 =	vmov s25;
	_ =	swait.ge @!p0 [sflag:s0], $0x400  }
0x2e: {  	v9 =	vmov s26;
	s26 =	simm.s32 $0x2;
	v8 =	vand.u32 $0x7F, v8;
	[sflag:s0] =	ssyncset.done @!p0 $0x0  }
0x2f: {  	v9 =	vand.u32 $0x7D, v9;
	v10 =	vmov s26;
	s26 =	simm.s32 $0x0;
	v14 =	vbroadcast v8, $0x0;
	[sflag:s0] =	ssyncadd.s32 @!p0 $0xFFFFFC00  }
0x30: {  	v17 =	vbroadcast v9, $0x0;
	v8 =	vand.u32 $0x7E, v10;
	v9 =	vmov s26;
	_ =	swait.ge @!p0 [sflag:s0], $0x400  }
0x31: {  	v16 =	vbroadcast v8, $0x0;
	v9 =	vand.u32 $0x7C, v9;
	v8 =	vor.u32 v0, v14;
	[sflag:s0] =	ssyncset.done @!p0 $0x0  }
0x32: {  	v10 =	vor.u32 v0, v17;
	v12 =	vbroadcast v9, $0x0;
	[sflag:s0] =	ssyncadd.s32 @!p0 $0xFFFFFC00  }
0x33: {  	v9 =	vor.u32 v0, v16;
	_ =	swait.ge @!p0 [sflag:s0], $0x400  }
0x34: {  	v11 =	vor.u32 v0, v12;
	[sflag:s0] =	ssyncset.done @!p0 $0x0  }
0x35: {  	[sflag:s0] =	ssyncadd.s32 @!p0 $0xFFFFFC00  }
0x36: {  	v8 =	vld.idx.msk [tilespmem:v8+s18+$0x0], $0xffff  }
0x37: {  	v13 =	vor.u32 v1, v14;
	v10 =	vld.idx.msk [tilespmem:v10+s18+$0x0], $0xffff  }
0x38: {  	v15 =	vor.u32 v1, v17;
	v9 =	vld.idx.msk [tilespmem:v9+s18+$0x0], $0xffff  }
0x39: {  	v18 =	vor.u32 v1, v16;
	v11 =	vld.idx.msk [tilespmem:v11+s18+$0x0], $0xffff  }
0x3a: {  	s26 =	simm.s32 $0x9D00;
	v19 =	vor.u32 v1, v12  }
0x3b: {  	[tilespmem:s26+$0x80] =	vst v8  }
0x3c: {  	[tilespmem:s26+$0xFFFFFF80] =	vst v10;
	v8 =	vld.idx.msk [tilespmem:v13+s18+$0x0], $0xffff  }
0x3d: {  	[tilespmem:s26+$0x0] =	vst v9;
	v9 =	vor.u32 v2, v14;
	v10 =	vld.idx.msk [tilespmem:v15+s18+$0x0], $0xffff  }
0x3e: {  	[tilespmem:s26+$0xFFFFFF00] =	vst v11;
	v13 =	vld.idx.msk [tilespmem:v18+s18+$0x0], $0xffff;
	v15 =	vor.u32 v2, v17  }
0x3f: {  	v11 =	vor.u32 v2, v16;
	v18 =	vld.idx.msk [tilespmem:v19+s18+$0x0], $0xffff  }
0x40: {  	v19 =	vor.u32 v2, v12  }
0x41: {  	[tilespmem:s26+$0x90] =	vst v8  }
0x42: {  	s25 =	simm.s32 $0x4;
	[tilespmem:s26+$0xFFFFFF90] =	vst v10;
	v10 =	vld.idx.msk [tilespmem:v9+s18+$0x0], $0xffff  }
0x43: {  	v8 =	vmov s25;
	s25 =	simm.s32 $0x5;
	[tilespmem:s26+$0x10] =	vst v13;
	v13 =	vor.u32 v3, v14;
	v15 =	vld.idx.msk [tilespmem:v15+s18+$0x0], $0xffff  }
0x44: {  	v20 =	vor.u32 v3, v17;
	[tilespmem:s26+$0xFFFFFF10] =	vst v18;
	v8 =	vand.u32 $0x7C, v8;
	v9 =	vmov s25;
	v11 =	vld.idx.msk [tilespmem:v11+s18+$0x0], $0xffff  }
0x45: {  	v18 =	vor.u32 v3, v16;
	v19 =	vld.idx.msk [tilespmem:v19+s18+$0x0], $0xffff;
	v8 =	vbroadcast v8, $0x0;
	v9 =	vand.u32 $0x7D, v9  }
0x46: {  	v22 =	vor.u32 v3, v12;
	v9 =	vbroadcast v9, $0x0  }
0x47: {  	s25 =	simm.s32 $0x7;
	v21 =	vor.u32 v0, v8;
	[tilespmem:s26+$0xA0] =	vst v10  }
0x48: {  	v23 =	vor.u32 v0, v9;
	[tilespmem:s26+$0xFFFFFFA0] =	vst v15;
	v10 =	vmov s25;
	s25 =	simm.s32 $0x6;
	v15 =	vld.idx.msk [tilespmem:v13+s18+$0x0], $0xffff  }
0x49: {  	[tilespmem:s26+$0x20] =	vst v11;
	v11 =	vor.u32 v4, v14;
	v20 =	vld.idx.msk [tilespmem:v20+s18+$0x0], $0xffff;
	v10 =	vand.u32 $0x7F, v10;
	v25 =	vmov s25  }
0x4a: {  	v24 =	vor.u32 v4, v17;
	[tilespmem:s26+$0xFFFFFF20] =	vst v19;
	v18 =	vld.idx.msk [tilespmem:v18+s18+$0x0], $0xffff;
	v13 =	vbroadcast v10, $0x0;
	v10 =	vand.u32 $0x7E, v25  }
0x4b: {  	v19 =	vor.u32 v4, v16;
	v22 =	vld.idx.msk [tilespmem:v22+s18+$0x0], $0xffff;
	v10 =	vbroadcast v10, $0x0  }
0x4c: {  	v21 =	vld.idx.msk [tilespmem:v21+s18+$0x0], $0xffff;
	v25 =	vor.u32 v0, v13  }
0x4d: {  	v23 =	vld.idx.msk [tilespmem:v23+s18+$0x0], $0xffff;
	v26 =	vor.u32 v0, v10;
	[tilespmem:s26+$0xB0] =	vst v15  }
0x4e: {  	s28 =	simm.s32 $0x8;
	v15 =	vor.u32 v4, v12;
	[tilespmem:s26+$0xFFFFFFB0] =	vst v20;
	v20 =	vld.idx.msk [tilespmem:v11+s18+$0x0], $0xffff  }
0x4f: {  	[tilespmem:s26+$0x30] =	vst v18;
	v18 =	vor.u32 v5, v14;
	v11 =	vmov s28;
	v24 =	vld.idx.msk [tilespmem:v24+s18+$0x0], $0xffff  }
0x50: {  	v27 =	vor.u32 v5, v17;
	v19 =	vld.idx.msk [tilespmem:v19+s18+$0x0], $0xffff;
	v11 =	vand.u32 $0x7C, v11  }
0x51: {  	[tilespmem:s26+$0xFFFFFF30] =	vst v22;
	v11 =	vbroadcast v11, $0x0;
	v22 =	vld.idx.msk [tilespmem:v25+s18+$0x0], $0xffff;
	v25 =	vor.u32 v5, v16  }
0x52: {  	v30 =	vor.u32 v1, v13;
	v26 =	vld.idx.msk [tilespmem:v26+s18+$0x0], $0xffff  }
0x53: {  	v28 =	vor.u32 v0, v11;
	v29 =	vld.idx.msk [tilespmem:v15+s18+$0x0], $0xffff;
	[tilespmem:s26+$0xC0] =	vst v20  }
0x54: {  	v20 =	vor.u32 v1, v9;
	[tilespmem:s26+$0xFFFFFFC0] =	vst v24;
	v18 =	vld.idx.msk [tilespmem:v18+s18+$0x0], $0xffff  }
0x55: {  	s25 =	simm.s32 $0x9F00;
	v24 =	vor.u32 v1, v10;
	[tilespmem:s26+$0x40] =	vst v19;
	v27 =	vld.idx.msk [tilespmem:v27+s18+$0x0], $0xffff  }
0x56: {  	v19 =	vld.idx.msk [tilespmem:v25+s18+$0x0], $0xffff;
	v25 =	vor.u32 v6, v14;
	[tilespmem:s25+$0x80] =	vst v22  }
0x57: {  	[tilespmem:s25+$0xFFFFFF80] =	vst v23;
	v23 =	vor.u32 v5, v12;
	v22 =	vld.idx.msk [tilespmem:v30+s18+$0x0], $0xffff  }
0x58: {  	[tilespmem:s25+$0xFFFFFF00] =	vst v21;
	v15 =	vld.idx.msk [tilespmem:v28+s18+$0x0], $0xffff;
	v28 =	vor.u32 v1, v8  }
0x59: {  	[tilespmem:s25+$0x0] =	vst v26;
	v26 =	vor.u32 v6, v17;
	v20 =	vld.idx.msk [tilespmem:v20+s18+$0x0], $0xffff  }
0x5a: {  	v30 =	vor.u32 v2, v13;
	v24 =	vld.idx.msk [tilespmem:v24+s18+$0x0], $0xffff;
	[tilespmem:s26+$0xD0] =	vst v18  }
0x5b: {  	v21 =	vor.u32 v2, v9;
	[tilespmem:s26+$0xFFFFFF40] =	vst v29;
	v25 =	vld.idx.msk [tilespmem:v25+s18+$0x0], $0xffff  }
0x5c: {  	v14 =	vor.u32 v7, v14;
	v23 =	vld.idx.msk [tilespmem:v23+s18+$0x0], $0xffff;
	[tilespmem:s26+$0xFFFFFFD0] =	vst v27  }
0x5d: {  	v31 =	vor.u32 v2, v10;
	[tilespmem:s25+$0x90] =	vst v22;
	v28 =	vld.idx.msk [tilespmem:v28+s18+$0x0], $0xffff  }
0x5e: {  	v32 =	vor.u32 v6, v12;
	v18 =	vld.idx.msk [tilespmem:v26+s18+$0x0], $0xffff;
	[tilespmem:s25+$0xFFFFFF90] =	vst v20  }
0x5f: {  	s0 =	simm.s32 $0x9;
	v27 =	vor.u32 v2, v8;
	v20 =	vld.idx.msk [tilespmem:v30+s18+$0x0], $0xffff;
	[tilespmem:s25+$0x10] =	vst v24  }
0x60: {  	v22 =	vor.u32 v6, v16;
	v30 =	vld.idx.msk [tilespmem:v21+s18+$0x0], $0xffff;
	v21 =	vmov s0;
	[tilespmem:s26+$0xE0] =	vst v25  }
0x61: {  	v33 =	vor.u32 v3, v13;
	[tilespmem:s26+$0xFFFFFF50] =	vst v23;
	v26 =	vld.idx.msk [tilespmem:v14+s18+$0x0], $0xffff;
	v14 =	vand.u32 $0x7D, v21  }
0x62: {  	v31 =	vld.idx.msk [tilespmem:v31+s18+$0x0], $0xffff;
	[tilespmem:s25+$0xFFFFFF10] =	vst v28;
	v28 =	vor.u32 v3, v9;
	v14 =	vbroadcast v14, $0x0  }
0x63: {  	v29 =	vor.u32 v3, v10;
	[tilespmem:s26+$0x50] =	vst v19;
	v19 =	vld.idx.msk [tilespmem:v32+s18+$0x0], $0xffff  }
0x64: {  	v24 =	vld.idx.msk [tilespmem:v27+s18+$0x0], $0xffff;
	[tilespmem:s25+$0xA0] =	vst v20;
	v20 =	vor.u32 v0, v14  }
0x65: {  	v21 =	vld.idx.msk [tilespmem:v22+s18+$0x0], $0xffff;
	v27 =	vor.u32 v3, v8  }
0x66: {  	v25 =	vor.u32 v7, v17;
	[tilespmem:s25+$0xFFFFFFA0] =	vst v30;
	v22 =	vld.idx.msk [tilespmem:v33+s18+$0x0], $0xffff  }
0x67: {  	s29 =	simm.s32 $0xC;
	s0 =	simm.s32 $0xB;
	[tilespmem:s25+$0x20] =	vst v31;
	v23 =	vld.idx.msk [tilespmem:v28+s18+$0x0], $0xffff;
	v28 =	vor.u32 v7, v16  }
.LBB2_3:
0x68: {  	p1 =	slt.u32 s29, $0x3C;
	v16 =	vmov s0;
	v17 =	vld.idx.msk [tilespmem:v29+s18+$0x0], $0xffff;
	v29 =	vor.u32 v4, v13;
	[tilespmem:s26+$0xF0] =	vst v26  }
0x69: {  	s0 =	sadd.s32 $0x2, s28;
	s28 =	smov.u32 s29;
	v20 =	vld.idx.msk [tilespmem:v20+s18+$0x0], $0xffff;
	v16 =	vand.u32 $0x7F, v16;
	[tilespmem:s25+$0xFFFFFF20] =	vst v24;
	v24 =	vor.u32 v4, v9  }
0x6a: {  	v30 =	vor.u32 v4, v10;
	v26 =	vmov s0;
	v16 =	vbroadcast v16, $0x0;
	v27 =	vld.idx.msk [tilespmem:v27+s18+$0x0], $0xffff;
	[tilespmem:s26+$0xFFFFFFE0] =	vst v18  }
0x6b: {  	v18 =	vand.u32 $0x7E, v26;
	v26 =	vor.u32 v7, v12;
	v12 =	vmovc v8;
	v8 =	vmov v11;
	v25 =	vld.idx.msk [tilespmem:v25+s18+$0x0], $0xffff;
	[tilespmem:s26+$0x60] =	vst v21  }
0x6c: {  	v31 =	vbroadcast v18, $0x0;
	v18 =	vor.u32 v0, v16;
	[tilespmem:s25+$0xB0] =	vst v22;
	v21 =	vld.idx.msk [tilespmem:v28+s18+$0x0], $0xffff  }
0x6d: {  	v22 =	vor.u32 v4, v12;
	[tilespmem:s25+$0xFFFFFFB0] =	vst v23;
	v23 =	vld.idx.msk [tilespmem:v29+s18+$0x0], $0xffff  }
0x6e: {  	v11 =	vmov s29;
	v28 =	vor.u32 v0, v31;
	v24 =	vld.idx.msk [tilespmem:v24+s18+$0x0], $0xffff;
	[tilespmem:s25+$0x30] =	vst v17  }
0x6f: {  	v11 =	vand.u32 $0x7C, v11;
	v29 =	vor.u32 v5, v13;
	v17 =	vld.idx.msk [tilespmem:v30+s18+$0x0], $0xffff;
	[tilespmem:s26+$0xFFFFFF60] =	vst v19  }
0x70: {  	v11 =	vbroadcast v11, $0x0;
	v19 =	vor.u32 v5, v9;
	[tilespmem:s25+$0xFFFFFF30] =	vst v27;
	v26 =	vld.idx.msk [tilespmem:v26+s18+$0x0], $0xffff  }
0x71: {  	v27 =	vor.u32 v5, v10;
	v18 =	vld.idx.msk [tilespmem:v18+s18+$0x0], $0xffff;
	[tilespmem:s26+$0xFFFFFFF0] =	vst v25  }
0x72: {  	v25 =	vor.u32 v0, v11;
	v22 =	vld.idx.msk [tilespmem:v22+s18+$0x0], $0xffff;
	[tilespmem:s26+$0x70] =	vst v21  }
0x73: {  	v21 =	vld.idx.msk [tilespmem:v28+s18+$0x0], $0xffff;
	v28 =	vor.u32 v1, v16;
	[tilespmem:s25+$0xC0] =	vst v23  }
0x74: {  	v23 =	vor.u32 v1, v14;
	[tilespmem:s25+$0xFFFFFFC0] =	vst v24;
	v24 =	vld.idx.msk [tilespmem:v29+s18+$0x0], $0xffff  }
0x75: {  	v29 =	vor.u32 v1, v31;
	v19 =	vld.idx.msk [tilespmem:v19+s18+$0x0], $0xffff;
	[tilespmem:s25+$0x40] =	vst v17  }
0x76: {  	v17 =	vld.idx.msk [tilespmem:v27+s18+$0x0], $0xffff;
	v27 =	vor.u32 v6, v13;
	[tilespmem:s26+$0xFFFFFF70] =	vst v26;
	s26 =	smov.u32 s25;
	s25 =	sadd.s32 $0x200, s25  }
0x77: {  	v26 =	vor.u32 v1, v8;
	v25 =	vld.idx.msk [tilespmem:v25+s18+$0x0], $0xffff;
	[tilespmem:s25+$0x80] =	vst v18  }
0x78: {  	[tilespmem:s25+$0xFFFFFF80] =	vst v20;
	v18 =	vld.idx.msk [tilespmem:v28+s18+$0x0], $0xffff;
	v20 =	vor.u32 v5, v12  }
0x79: {  	v23 =	vld.idx.msk [tilespmem:v23+s18+$0x0], $0xffff;
	[tilespmem:s25+$0x0] =	vst v21;
	v21 =	vor.u32 v6, v9  }
0x7a: {  	v28 =	vld.idx.msk [tilespmem:v29+s18+$0x0], $0xffff;
	v29 =	vor.u32 v2, v16;
	[tilespmem:s26+$0xD0] =	vst v24  }
0x7b: {  	v24 =	vor.u32 v2, v14;
	[tilespmem:s25+$0xFFFFFF00] =	vst v15;
	v27 =	vld.idx.msk [tilespmem:v27+s18+$0x0], $0xffff  }
0x7c: {  	v30 =	vor.u32 v2, v31;
	v26 =	vld.idx.msk [tilespmem:v26+s18+$0x0], $0xffff;
	[tilespmem:s26+$0xFFFFFF40] =	vst v22  }
0x7d: {  	v15 =	vmov v25;
	v22 =	vld.idx.msk [tilespmem:v20+s18+$0x0], $0xffff;
	[tilespmem:s26+$0xFFFFFFD0] =	vst v19;
	v19 =	vor.u32 v7, v13;
	v13 =	vmov v16  }
0x7e: {  	v16 =	vor.u32 v2, v8;
	[tilespmem:s25+$0x90] =	vst v18;
	v18 =	vld.idx.msk [tilespmem:v21+s18+$0x0], $0xffff  }
0x7f: {  	s0 =	sadd.s32 $0x1, s29;
	v21 =	vor.u32 v6, v10;
	[tilespmem:s25+$0xFFFFFF90] =	vst v23;
	v23 =	vld.idx.msk [tilespmem:v29+s18+$0x0], $0xffff  }
0x80: {  	v20 =	vmov s0;
	v25 =	vld.idx.msk [tilespmem:v24+s18+$0x0], $0xffff;
	[tilespmem:s25+$0x10] =	vst v28;
	v28 =	vor.u32 v6, v12  }
0x81: {  	v20 =	vand.u32 $0x7D, v20;
	v32 =	vor.u32 v3, v13;
	v30 =	vld.idx.msk [tilespmem:v30+s18+$0x0], $0xffff;
	[tilespmem:s26+$0xE0] =	vst v27  }
0x82: {  	v34 =	vor.u32 v3, v14;
	v33 =	vbroadcast v20, $0x0;
	[tilespmem:s25+$0xFFFFFF10] =	vst v26;
	v26 =	vld.idx.msk [tilespmem:v19+s18+$0x0], $0xffff  }
.Ltmp0:
0x83: {  	v29 =	vor.u32 v3, v31;
	v24 =	vld.idx.msk [tilespmem:v16+s18+$0x0], $0xffff;
	[tilespmem:s26+$0x50] =	vst v17;
	(pc) =	sbr.rel @p1 .LBB2_3-.Ltmp0, $4  }
0x84: {  	v20 =	vor.u32 v0, v33;
	[tilespmem:s26+$0xFFFFFF50] =	vst v22;
	v21 =	vld.idx.msk [tilespmem:v21+s18+$0x0], $0xffff  }
0x85: {  	v27 =	vor.u32 v3, v8;
	[tilespmem:s25+$0xA0] =	vst v23;
	v19 =	vld.idx.msk [tilespmem:v28+s18+$0x0], $0xffff  }
0x86: {  	[tilespmem:s25+$0xFFFFFFA0] =	vst v25;
	v22 =	vld.idx.msk [tilespmem:v32+s18+$0x0], $0xffff;
	v25 =	vor.u32 v7, v9;
	v9 =	vmov v14;
	v14 =	vmov v33  }
0x87: {  	s29 =	sadd.s32 $0x4, s29;
	s0 =	sadd.s32 $0x3, s28;
	v28 =	vor.u32 v7, v10;
	v10 =	vmov v31;
	v23 =	vld.idx.msk [tilespmem:v34+s18+$0x0], $0xffff;
	[tilespmem:s25+$0x20] =	vst v30  }
0x88: {  	_ = 	snop  }
0x89: {  	[tilespmem:s26+$0xF0] =	vst v26  }
0x8a: {  	[tilespmem:s25+$0xFFFFFF20] =	vst v24  }
0x8b: {  	v16 =	vmov s0;
	s28 =	sadd.s32 $0x2, s28;
	[tilespmem:s26+$0xFFFFFFE0] =	vst v18  }
0x8c: {  	v63 =	vld.idx.msk [tilespmem:v29+s18+$0x0], $0xffff;
	v33 =	vor.u32 v4, v13;
	s29 =	sadd.s32 $0x200, s25;
	v16 =	vand.u32 $0x7F, v16;
	v30 =	vmov s28;
	[tilespmem:s26+$0x60] =	vst v21  }
0x8d: {  	v34 =	vor.u32 v4, v9;
	v20 =	vld.idx.msk [tilespmem:v20+s18+$0x0], $0xffff;
	[tilespmem:s29+$0xFFFFFF00] =	vst v15;
	v17 =	vbroadcast v16, $0x0;
	v37 =	vand.u32 $0x7E, v30  }
0x8e: {  	v12 =	vor.u32 v7, v12;
	v35 =	vld.idx.msk [tilespmem:v27+s18+$0x0], $0xffff;
	[tilespmem:s26+$0xFFFFFF60] =	vst v19;
	v16 =	vbroadcast v37, $0x0  }
0x8f: {  	v38 =	vld.idx.msk [tilespmem:v25+s18+$0x0], $0xffff;
	[tilespmem:s25+$0xB0] =	vst v22;
	v39 =	vor.u32 v0, v17  }
0x90: {  	v40 =	vld.idx.msk [tilespmem:v28+s18+$0x0], $0xffff;
	[tilespmem:s25+$0xFFFFFFB0] =	vst v23;
	v42 =	vor.u32 v0, v16  }
0x91: {  	v49 =	vor.u32 v1, v11;
	v41 =	vld.idx.msk [tilespmem:v33+s18+$0x0], $0xffff;
	[tilespmem:s25+$0x30] =	vst v63  }
0x92: {  	v47 =	vor.u32 v1, v14;
	v24 =	vld.idx.msk [tilespmem:v34+s18+$0x0], $0xffff;
	[tilespmem:s29+$0xFFFFFF80] =	vst v20  }
0x93: {  	v36 =	vor.u32 v4, v10;
	v12 =	vld.idx.msk [tilespmem:v12+s18+$0x0], $0xffff;
	[tilespmem:s25+$0xFFFFFF30] =	vst v35  }
0x94: {  	v44 =	vor.u32 v5, v13;
	[tilespmem:s26+$0xFFFFFFF0] =	vst v38;
	v25 =	vld.idx.msk [tilespmem:v39+s18+$0x0], $0xffff  }
0x95: {  	v45 =	vor.u32 v1, v17;
	[tilespmem:s26+$0x70] =	vst v40;
	v46 =	vld.idx.msk [tilespmem:v42+s18+$0x0], $0xffff  }
0x96: {  	v48 =	vor.u32 v1, v16;
	v57 =	vld.idx.msk [tilespmem:v49+s18+$0x0], $0xffff;
	[tilespmem:s25+$0xC0] =	vst v41  }
0x97: {  	v50 =	vor.u32 v4, v8;
	v53 =	vld.idx.msk [tilespmem:v47+s18+$0x0], $0xffff;
	[tilespmem:s25+$0xFFFFFFC0] =	vst v24  }
0x98: {  	v56 =	vor.u32 v2, v14;
	v43 =	vld.idx.msk [tilespmem:v36+s18+$0x0], $0xffff;
	[tilespmem:s26+$0xFFFFFF70] =	vst v12  }
0x99: {  	v62 =	vor.u32 v5, v10;
	v18 =	vld.idx.msk [tilespmem:v44+s18+$0x0], $0xffff;
	[tilespmem:s29+$0x80] =	vst v25  }
0x9a: {  	v60 =	vor.u32 v2, v11;
	v52 =	vld.idx.msk [tilespmem:v45+s18+$0x0], $0xffff;
	[tilespmem:s29+$0x0] =	vst v46  }
0x9b: {  	v54 =	vor.u32 v2, v17;
	[tilespmem:s29+$0xFFFFFF10] =	vst v57;
	v55 =	vld.idx.msk [tilespmem:v48+s18+$0x0], $0xffff  }
0x9c: {  	v58 =	vor.u32 v2, v16;
	v59 =	vld.idx.msk [tilespmem:v50+s18+$0x0], $0xffff;
	[tilespmem:s29+$0xFFFFFF90] =	vst v53  }
0x9d: {  	v33 =	vor.u32 v5, v8;
	[tilespmem:s25+$0x40] =	vst v43;
	v15 =	vld.idx.msk [tilespmem:v56+s18+$0x0], $0xffff  }
0x9e: {  	v61 =	vor.u32 v6, v13;
	v20 =	vld.idx.msk [tilespmem:v62+s18+$0x0], $0xffff;
	[tilespmem:s25+$0xD0] =	vst v18  }
0x9f: {  	v29 =	vor.u32 v3, v14;
	v18 =	vld.idx.msk [tilespmem:v60+s18+$0x0], $0xffff;
	[tilespmem:s29+$0x90] =	vst v52  }
0xa0: {  	v32 =	vor.u32 v3, v11;
	v63 =	vld.idx.msk [tilespmem:v54+s18+$0x0], $0xffff;
	[tilespmem:s29+$0x10] =	vst v55  }
0xa1: {  	v28 =	vor.u32 v3, v17;
	[tilespmem:s25+$0xFFFFFF40] =	vst v59;
	v19 =	vld.idx.msk [tilespmem:v58+s18+$0x0], $0xffff  }
0xa2: {  	v30 =	vor.u32 v3, v16;
	v41 =	vld.idx.msk [tilespmem:v33+s18+$0x0], $0xffff;
	[tilespmem:s29+$0xFFFFFFA0] =	vst v15  }
0xa3: {  	v51 =	vor.u32 v5, v9;
	v31 =	vld.idx.msk [tilespmem:v61+s18+$0x0], $0xffff;
	[tilespmem:s25+$0x50] =	vst v20  }
0xa4: {  	v34 =	vor.u32 v7, v13;
	v12 =	vld.idx.msk [tilespmem:v29+s18+$0x0], $0xffff;
	[tilespmem:s29+$0xFFFFFF20] =	vst v18  }
0xa5: {  	v38 =	vor.u32 v4, v14;
	v39 =	vld.idx.msk [tilespmem:v32+s18+$0x0], $0xffff;
	[tilespmem:s29+$0xA0] =	vst v63  }
0xa6: {  	v42 =	vor.u32 v4, v11;
	v35 =	vld.idx.msk [tilespmem:v28+s18+$0x0], $0xffff;
	[tilespmem:s29+$0x20] =	vst v19  }
0xa7: {  	v36 =	vor.u32 v4, v17;
	[tilespmem:s25+$0xFFFFFF50] =	vst v41;
	v37 =	vld.idx.msk [tilespmem:v30+s18+$0x0], $0xffff  }
0xa8: {  	v40 =	vor.u32 v4, v16;
	v25 =	vld.idx.msk [tilespmem:v51+s18+$0x0], $0xffff;
	[tilespmem:s25+$0xE0] =	vst v31  }
0xa9: {  	v44 =	vor.u32 v6, v10;
	v13 =	vld.idx.msk [tilespmem:v34+s18+$0x0], $0xffff;
	[tilespmem:s29+$0xFFFFFFB0] =	vst v12  }
0xaa: {  	v43 =	vor.u32 v6, v9;
	v18 =	vld.idx.msk [tilespmem:v38+s18+$0x0], $0xffff;
	[tilespmem:s29+$0xFFFFFF30] =	vst v39  }
0xab: {  	v47 =	vor.u32 v5, v14;
	v20 =	vld.idx.msk [tilespmem:v42+s18+$0x0], $0xffff;
	[tilespmem:s29+$0xB0] =	vst v35  }
0xac: {  	v50 =	vor.u32 v5, v11;
	v45 =	vld.idx.msk [tilespmem:v36+s18+$0x0], $0xffff;
	[tilespmem:s29+$0x30] =	vst v37  }
0xad: {  	v46 =	vor.u32 v5, v17;
	[tilespmem:s25+$0xFFFFFFD0] =	vst v25;
	v21 =	vld.idx.msk [tilespmem:v40+s18+$0x0], $0xffff  }
0xae: {  	v48 =	vor.u32 v5, v16;
	v15 =	vld.idx.msk [tilespmem:v44+s18+$0x0], $0xffff;
	[tilespmem:s25+$0xF0] =	vst v13  }
0xaf: {  	v51 =	vor.u32 v6, v8;
	v49 =	vld.idx.msk [tilespmem:v43+s18+$0x0], $0xffff;
	[tilespmem:s29+$0xFFFFFFC0] =	vst v18  }
0xb0: {  	v52 =	vor.u32 v7, v9;
	v18 =	vld.idx.msk [tilespmem:v47+s18+$0x0], $0xffff;
	[tilespmem:s29+$0xFFFFFF40] =	vst v20  }
0xb1: {  	v54 =	vor.u32 v6, v14;
	v13 =	vld.idx.msk [tilespmem:v50+s18+$0x0], $0xffff;
	[tilespmem:s29+$0xC0] =	vst v45  }
0xb2: {  	v57 =	vor.u32 v6, v11;
	v12 =	vld.idx.msk [tilespmem:v46+s18+$0x0], $0xffff;
	[tilespmem:s29+$0x40] =	vst v21  }
0xb3: {  	v53 =	vor.u32 v6, v17;
	[tilespmem:s25+$0x60] =	vst v15;
	v21 =	vld.idx.msk [tilespmem:v48+s18+$0x0], $0xffff  }
0xb4: {  	v56 =	vld.idx.msk [tilespmem:v51+s18+$0x0], $0xffff;
	v55 =	vor.u32 v6, v16;
	[tilespmem:s25+$0xFFFFFFE0] =	vst v49  }
0xb5: {  	v8 =	vor.u32 v7, v8;
	v9 =	vld.idx.msk [tilespmem:v52+s18+$0x0], $0xffff;
	[tilespmem:s29+$0xFFFFFFD0] =	vst v18  }
0xb6: {  	v58 =	vor.u32 v7, v10;
	v18 =	vld.idx.msk [tilespmem:v54+s18+$0x0], $0xffff;
	[tilespmem:s29+$0xFFFFFF50] =	vst v13  }
0xb7: {  	v60 =	vor.u32 v7, v14;
	v15 =	vld.idx.msk [tilespmem:v57+s18+$0x0], $0xffff;
	[tilespmem:s29+$0xD0] =	vst v12  }
0xb8: {  	v61 =	vor.u32 v7, v11;
	v12 =	vld.idx.msk [tilespmem:v53+s18+$0x0], $0xffff;
	[tilespmem:s29+$0x50] =	vst v21  }
0xb9: {  	v17 =	vor.u32 v7, v17;
	[tilespmem:s25+$0xFFFFFF60] =	vst v56;
	v59 =	vld.idx.msk [tilespmem:v55+s18+$0x0], $0xffff  }
0xba: {  	v16 =	vor.u32 v7, v16;
	v8 =	vld.idx.msk [tilespmem:v8+s18+$0x0], $0xffff;
	[tilespmem:s25+$0xFFFFFFF0] =	vst v9  }
0xbb: {  	v10 =	vld.idx.msk [tilespmem:v58+s18+$0x0], $0xffff;
	[tilespmem:s29+$0xFFFFFFE0] =	vst v18  }
0xbc: {  	v63 =	vld.idx.msk [tilespmem:v60+s18+$0x0], $0xffff;
	[tilespmem:s29+$0xFFFFFF60] =	vst v15  }
0xbd: {  	v9 =	vld.idx.msk [tilespmem:v61+s18+$0x0], $0xffff;
	[tilespmem:s29+$0xE0] =	vst v12  }
0xbe: {  	v62 =	vld.idx.msk [tilespmem:v17+s18+$0x0], $0xffff;
	[tilespmem:s29+$0x60] =	vst v59  }
0xbf: {  	[tilespmem:s25+$0xFFFFFF70] =	vst v8;
	v13 =	vld.idx.msk [tilespmem:v16+s18+$0x0], $0xffff  }
0xc0: {  	[tilespmem:s25+$0x70] =	vst v10  }
0xc1: {  	s26 =	sshll.u32 s23, $0x13;
	[tilespmem:s29+$0xFFFFFFF0] =	vst v63  }
0xc2: {  	s0 =	sor.u32 s6, s26;
	[tilespmem:s29+$0xFFFFFF70] =	vst v9  }
0xc3: {  	s0 =	sshrl.u32 s0, $0x3;
	[tilespmem:s29+$0xF0] =	vst v62  }
0xc4: {  	s28 =	sadd.s32 s2, s0;
	[tilespmem:s29+$0x70] =	vst v13;
	s29 =	simm.s32 $0x9C00  }
0xc5: {  	[hbm4b:s28+s3] =	stream.linear.scatter [tilespmem:s29], [sflag:$0x3], $0x400, $0x38;
	[tilespmem:$0xDC00] =	vst v63  }
0xc6: {  	s28 =	sadd.s32 s0, s7;
	s29 =	simm.s32 $0xA000  }
0xc7: {  	[hbm4b:s28+s3] =	stream.linear.scatter [tilespmem:s29], [sflag:$0x3], $0x400, $0x38;
	[tilespmem:$0xDC00] =	vst v63  }
0xc8: {  	s28 =	sadd.s32 s0, s8;
	s29 =	simm.s32 $0xA400  }
0xc9: {  	[hbm4b:s28+s3] =	stream.linear.scatter [tilespmem:s29], [sflag:$0x3], $0x400, $0x38;
	[tilespmem:$0xDC00] =	vst v63  }
0xca: {  	s28 =	sadd.s32 s0, s9;
	s29 =	simm.s32 $0xA800  }
0xcb: {  	[hbm4b:s28+s3] =	stream.linear.scatter [tilespmem:s29], [sflag:$0x3], $0x400, $0x38;
	[tilespmem:$0xDC00] =	vst v63  }
0xcc: {  	s28 =	sadd.s32 s0, s10;
	s29 =	simm.s32 $0xAC00  }
0xcd: {  	[hbm4b:s28+s3] =	stream.linear.scatter [tilespmem:s29], [sflag:$0x3], $0x400, $0x38;
	[tilespmem:$0xDC00] =	vst v63  }
0xce: {  	p1 =	sne.s32 s23, $0x18;
	s28 =	sadd.s32 s0, s11;
	s29 =	simm.s32 $0xB000  }
0xcf: {  	[hbm4b:s28+s3] =	stream.linear.scatter [tilespmem:s29], [sflag:$0x3], $0x400, $0x38;
	[tilespmem:$0xDC00] =	vst v63  }
.Ltmp1:
0xd0: {  	_ = 	snop;
	(pc) =	sbr.rel @p1 .LBB2_6-.Ltmp1, $4  }
0xd1: {  	s26 =	sadd.s32 s0, s12;
	s28 =	simm.s32 $0xB400  }
0xd2: {  	[hbm4b:s26+s3] =	stream.linear.scatter [tilespmem:s28], [sflag:$0x3], $0x400, $0x38;
	[tilespmem:$0xDC00] =	vst v63  }
0xd3: {  	s0 =	sadd.s32 s0, s13;
	s29 =	simm.s32 $0xB800  }
0xd4: {  	[hbm4b:s0+s3] =	stream.linear.scatter [tilespmem:s29], [sflag:$0x3], $0x400, $0x38;
	[tilespmem:$0xDC00] =	vst v63  }
.Ltmp2:
0xd5: {  	(pc) =	sbr.rel .LBB2_7-.Ltmp2, $4  }
0xd6: {  	_ = 	snop  }
0xd7: {  	_ =	swait.ge [sflag:s30], $0x4000  }
0xd8: {  	[sflag:s30] =	ssyncset.done $0x0  }
0xd9: {  	[sflag:s30] =	ssyncadd.s32 $0xFFFFC000  }
.LBB2_6:
0xda: {  	s0 =	sshll.u32 s23, $0x8  }
0xdb: {  	s0 =	sand.u32 $0x3FFFFF00, s0  }
.Ltmp3:
0xdc: {  	s0 =	sadd.s32 $0x100, s0;
	(pc) =	sbr.rel @p0 .LBB2_8-.Ltmp3, $4  }
0xdd: {  	[tilespmem:s18], [sflag:$0x1] =	stream.indirect.gather [hbm4b:s4+s15], $0x80, s0, s15, $0xb8;
	[tilespmem:$0xDC00] =	vst v63  }
0xde: {  	_ =	swait.ge [sflag:s30], $0x4000  }
0xdf: {  	[sflag:s30] =	ssyncset.done $0x0  }
0xe0: {  	[sflag:s30] =	ssyncadd.s32 $0xFFFFC000  }
.LBB2_7:
0xe1: {  	_ =	swait.ge [sflag:s31], $0x400  }
0xe2: {  	[sflag:s31] =	ssyncset.done $0x0  }
0xe3: {  	[sflag:s31] =	ssyncadd.s32 $0xFFFFFC00  }
0xe4: {  	_ =	swait.ge [sflag:s31], $0x400  }
0xe5: {  	[sflag:s31] =	ssyncset.done $0x0  }
0xe6: {  	[sflag:s31] =	ssyncadd.s32 $0xFFFFFC00  }
0xe7: {  	_ =	swait.ge [sflag:s31], $0x400  }
0xe8: {  	[sflag:s31] =	ssyncset.done $0x0  }
0xe9: {  	[sflag:s31] =	ssyncadd.s32 $0xFFFFFC00  }
0xea: {  	_ =	swait.ge [sflag:s31], $0x400  }
0xeb: {  	[sflag:s31] =	ssyncset.done $0x0  }
0xec: {  	[sflag:s31] =	ssyncadd.s32 $0xFFFFFC00  }
0xed: {  	_ =	swait.ge [sflag:s31], $0x400  }
0xee: {  	[sflag:s31] =	ssyncset.done $0x0  }
0xef: {  	[sflag:s31] =	ssyncadd.s32 $0xFFFFFC00  }
0xf0: {  	_ =	swait.ge [sflag:s31], $0x400  }
0xf1: {  	[sflag:s31] =	ssyncset.done $0x0  }
0xf2: {  	[sflag:s31] =	ssyncadd.s32 $0xFFFFFC00  }
0xf3: {  	_ =	swait.ge [sflag:s31], $0x400  }
0xf4: {  	[sflag:s31] =	ssyncset.done $0x0  }
0xf5: {  	[sflag:s31] =	ssyncadd.s32 $0xFFFFFC00  }
0xf6: {  	_ =	swait.ge [sflag:s31], $0x400  }
0xf7: {  	[sflag:s31] =	ssyncset.done $0x0  }
0xf8: {  	[sflag:s31] =	ssyncadd.s32 $0xFFFFFC00  }
.LBB2_8:
0xf9: {  	s0 =	simm.s32 $0x3  }
0xfa: {  	s25 =	simm.s32 $0x1;
	v8 =	vmov s0  }
0xfb: {  	v9 =	vmov s25;
	s25 =	simm.s32 $0x2;
	v8 =	vand.u32 $0x7F, v8  }
0xfc: {  	v9 =	vand.u32 $0x7D, v9;
	v10 =	vmov s25;
	v14 =	vbroadcast v8, $0x0  }
0xfd: {  	s26 =	simm.s32 $0x0;
	v17 =	vbroadcast v9, $0x0;
	v8 =	vand.u32 $0x7E, v10  }
0xfe: {  	v9 =	vmov s26;
	v16 =	vbroadcast v8, $0x0;
	v8 =	vor.u32 v0, v14  }
0xff: {  	v9 =	vand.u32 $0x7C, v9;
	v10 =	vor.u32 v0, v17  }
0x100: {  	v13 =	vbroadcast v9, $0x0;
	v9 =	vor.u32 v0, v16;
	_ =	sdelay $0x1  }
0x101: {  	v11 =	vor.u32 v0, v13  }
0x102: {  	v8 =	vld.idx.msk [tilespmem:v8+s19+$0x0], $0xffff  }
0x103: {  	v12 =	vor.u32 v1, v14;
	v10 =	vld.idx.msk [tilespmem:v10+s19+$0x0], $0xffff  }
0x104: {  	v15 =	vor.u32 v1, v17;
	v9 =	vld.idx.msk [tilespmem:v9+s19+$0x0], $0xffff  }
0x105: {  	v18 =	vor.u32 v1, v16  }
0x106: {  	s26 =	simm.s32 $0xBD00;
	v11 =	vld.idx.msk [tilespmem:v11+s19+$0x0], $0xffff  }
0x107: {  	v19 =	vor.u32 v1, v13;
	[tilespmem:s26+$0x80] =	vst v8  }
0x108: {  	[tilespmem:s26+$0xFFFFFF80] =	vst v10;
	v8 =	vld.idx.msk [tilespmem:v12+s19+$0x0], $0xffff  }
0x109: {  	v10 =	vld.idx.msk [tilespmem:v15+s19+$0x0], $0xffff;
	[tilespmem:s26+$0x0] =	vst v9;
	v9 =	vor.u32 v2, v14  }
0x10a: {  	v15 =	vor.u32 v2, v17;
	v12 =	vld.idx.msk [tilespmem:v18+s19+$0x0], $0xffff  }
0x10b: {  	[tilespmem:s26+$0xFFFFFF00] =	vst v11;
	v11 =	vor.u32 v2, v16  }
0x10c: {  	v18 =	vld.idx.msk [tilespmem:v19+s19+$0x0], $0xffff  }
0x10d: {  	s25 =	simm.s32 $0x4;
	v19 =	vor.u32 v2, v13;
	[tilespmem:s26+$0x90] =	vst v8  }
0x10e: {  	v8 =	vmov s25;
	[tilespmem:s26+$0xFFFFFF90] =	vst v10;
	v10 =	vld.idx.msk [tilespmem:v9+s19+$0x0], $0xffff  }
0x10f: {  	s25 =	simm.s32 $0x5;
	v8 =	vand.u32 $0x7C, v8;
	v15 =	vld.idx.msk [tilespmem:v15+s19+$0x0], $0xffff;
	[tilespmem:s26+$0x10] =	vst v12;
	v12 =	vor.u32 v3, v14  }
0x110: {  	v20 =	vor.u32 v3, v17;
	v9 =	vmov s25;
	v8 =	vbroadcast v8, $0x0;
	v11 =	vld.idx.msk [tilespmem:v11+s19+$0x0], $0xffff  }
0x111: {  	v9 =	vand.u32 $0x7D, v9;
	[tilespmem:s26+$0xFFFFFF10] =	vst v18;
	v18 =	vor.u32 v3, v16  }
0x112: {  	v9 =	vbroadcast v9, $0x0;
	v19 =	vld.idx.msk [tilespmem:v19+s19+$0x0], $0xffff;
	v21 =	vor.u32 v0, v8  }
0x113: {  	v22 =	vor.u32 v3, v13;
	s25 =	simm.s32 $0x7;
	[tilespmem:s26+$0xA0] =	vst v10  }
0x114: {  	v23 =	vor.u32 v0, v9;
	[tilespmem:s26+$0xFFFFFFA0] =	vst v15;
	v10 =	vmov s25;
	s25 =	simm.s32 $0x6;
	v15 =	vld.idx.msk [tilespmem:v12+s19+$0x0], $0xffff  }
0x115: {  	v20 =	vld.idx.msk [tilespmem:v20+s19+$0x0], $0xffff;
	[tilespmem:s26+$0x20] =	vst v11;
	v11 =	vor.u32 v4, v14;
	v10 =	vand.u32 $0x7F, v10;
	v25 =	vmov s25  }
0x116: {  	v24 =	vor.u32 v4, v17;
	v18 =	vld.idx.msk [tilespmem:v18+s19+$0x0], $0xffff;
	v12 =	vbroadcast v10, $0x0;
	v10 =	vand.u32 $0x7E, v25  }
0x117: {  	[tilespmem:s26+$0xFFFFFF20] =	vst v19;
	v19 =	vor.u32 v4, v16;
	v21 =	vld.idx.msk [tilespmem:v21+s19+$0x0], $0xffff;
	v10 =	vbroadcast v10, $0x0  }
0x118: {  	v22 =	vld.idx.msk [tilespmem:v22+s19+$0x0], $0xffff;
	v25 =	vor.u32 v0, v12  }
0x119: {  	v23 =	vld.idx.msk [tilespmem:v23+s19+$0x0], $0xffff;
	v26 =	vor.u32 v0, v10;
	[tilespmem:s26+$0xB0] =	vst v15  }
0x11a: {  	s28 =	simm.s32 $0x8;
	v15 =	vor.u32 v4, v13;
	[tilespmem:s26+$0xFFFFFFB0] =	vst v20;
	v20 =	vld.idx.msk [tilespmem:v11+s19+$0x0], $0xffff  }
0x11b: {  	v11 =	vmov s28;
	v24 =	vld.idx.msk [tilespmem:v24+s19+$0x0], $0xffff;
	[tilespmem:s26+$0x30] =	vst v18;
	v18 =	vor.u32 v5, v14  }
0x11c: {  	v27 =	vor.u32 v5, v17;
	v11 =	vand.u32 $0x7C, v11;
	v19 =	vld.idx.msk [tilespmem:v19+s19+$0x0], $0xffff  }
0x11d: {  	[tilespmem:s26+$0xFFFFFF30] =	vst v22;
	v11 =	vbroadcast v11, $0x0;
	v22 =	vld.idx.msk [tilespmem:v25+s19+$0x0], $0xffff;
	v25 =	vor.u32 v5, v16  }
0x11e: {  	v30 =	vor.u32 v1, v12;
	v26 =	vld.idx.msk [tilespmem:v26+s19+$0x0], $0xffff  }
0x11f: {  	v28 =	vor.u32 v0, v11;
	v29 =	vld.idx.msk [tilespmem:v15+s19+$0x0], $0xffff;
	[tilespmem:s26+$0xC0] =	vst v20  }
0x120: {  	v20 =	vor.u32 v1, v9;
	[tilespmem:s26+$0xFFFFFFC0] =	vst v24;
	v18 =	vld.idx.msk [tilespmem:v18+s19+$0x0], $0xffff  }
0x121: {  	s25 =	simm.s32 $0xBF00;
	v24 =	vor.u32 v1, v10;
	v27 =	vld.idx.msk [tilespmem:v27+s19+$0x0], $0xffff;
	[tilespmem:s26+$0x40] =	vst v19  }
0x122: {  	v19 =	vld.idx.msk [tilespmem:v25+s19+$0x0], $0xffff;
	v25 =	vor.u32 v6, v14;
	[tilespmem:s25+$0x80] =	vst v22  }
0x123: {  	[tilespmem:s25+$0xFFFFFF80] =	vst v23;
	v23 =	vor.u32 v5, v13;
	v22 =	vld.idx.msk [tilespmem:v30+s19+$0x0], $0xffff  }
0x124: {  	[tilespmem:s25+$0xFFFFFF00] =	vst v21;
	v15 =	vld.idx.msk [tilespmem:v28+s19+$0x0], $0xffff;
	v28 =	vor.u32 v1, v8  }
0x125: {  	[tilespmem:s25+$0x0] =	vst v26;
	v26 =	vor.u32 v6, v17;
	v20 =	vld.idx.msk [tilespmem:v20+s19+$0x0], $0xffff  }
0x126: {  	v30 =	vor.u32 v2, v12;
	v24 =	vld.idx.msk [tilespmem:v24+s19+$0x0], $0xffff;
	[tilespmem:s26+$0xD0] =	vst v18  }
0x127: {  	v21 =	vor.u32 v2, v9;
	[tilespmem:s26+$0xFFFFFF40] =	vst v29;
	v25 =	vld.idx.msk [tilespmem:v25+s19+$0x0], $0xffff  }
0x128: {  	v14 =	vor.u32 v7, v14;
	v23 =	vld.idx.msk [tilespmem:v23+s19+$0x0], $0xffff;
	[tilespmem:s26+$0xFFFFFFD0] =	vst v27  }
0x129: {  	v31 =	vor.u32 v2, v10;
	[tilespmem:s25+$0x90] =	vst v22;
	v28 =	vld.idx.msk [tilespmem:v28+s19+$0x0], $0xffff  }
0x12a: {  	v32 =	vor.u32 v6, v13;
	v18 =	vld.idx.msk [tilespmem:v26+s19+$0x0], $0xffff;
	[tilespmem:s25+$0xFFFFFF90] =	vst v20  }
0x12b: {  	s0 =	simm.s32 $0x9;
	v27 =	vor.u32 v2, v8;
	v20 =	vld.idx.msk [tilespmem:v30+s19+$0x0], $0xffff;
	[tilespmem:s25+$0x10] =	vst v24  }
0x12c: {  	v22 =	vor.u32 v6, v16;
	v30 =	vld.idx.msk [tilespmem:v21+s19+$0x0], $0xffff;
	v21 =	vmov s0;
	[tilespmem:s26+$0xE0] =	vst v25  }
0x12d: {  	v33 =	vor.u32 v3, v12;
	[tilespmem:s26+$0xFFFFFF50] =	vst v23;
	v26 =	vld.idx.msk [tilespmem:v14+s19+$0x0], $0xffff;
	v14 =	vand.u32 $0x7D, v21  }
0x12e: {  	v31 =	vld.idx.msk [tilespmem:v31+s19+$0x0], $0xffff;
	[tilespmem:s25+$0xFFFFFF10] =	vst v28;
	v28 =	vor.u32 v3, v9;
	v14 =	vbroadcast v14, $0x0  }
0x12f: {  	v29 =	vor.u32 v3, v10;
	[tilespmem:s26+$0x50] =	vst v19;
	v19 =	vld.idx.msk [tilespmem:v32+s19+$0x0], $0xffff  }
0x130: {  	v24 =	vld.idx.msk [tilespmem:v27+s19+$0x0], $0xffff;
	[tilespmem:s25+$0xA0] =	vst v20;
	v20 =	vor.u32 v0, v14  }
0x131: {  	v21 =	vld.idx.msk [tilespmem:v22+s19+$0x0], $0xffff;
	v27 =	vor.u32 v3, v8  }
0x132: {  	v25 =	vor.u32 v7, v17;
	[tilespmem:s25+$0xFFFFFFA0] =	vst v30;
	v22 =	vld.idx.msk [tilespmem:v33+s19+$0x0], $0xffff  }
0x133: {  	s29 =	simm.s32 $0xC;
	s0 =	simm.s32 $0xB;
	[tilespmem:s25+$0x20] =	vst v31;
	v23 =	vld.idx.msk [tilespmem:v28+s19+$0x0], $0xffff;
	v28 =	vor.u32 v7, v16  }
.LBB2_9:
0x134: {  	p0 =	slt.u32 s29, $0x3C;
	v16 =	vmov s0;
	v17 =	vld.idx.msk [tilespmem:v29+s19+$0x0], $0xffff;
	v29 =	vor.u32 v4, v12;
	[tilespmem:s26+$0xF0] =	vst v26  }
0x135: {  	s0 =	sadd.s32 $0x2, s28;
	s28 =	smov.u32 s29;
	v20 =	vld.idx.msk [tilespmem:v20+s19+$0x0], $0xffff;
	v16 =	vand.u32 $0x7F, v16;
	[tilespmem:s25+$0xFFFFFF20] =	vst v24;
	v24 =	vor.u32 v4, v9  }
0x136: {  	v30 =	vor.u32 v4, v10;
	v26 =	vmov s0;
	v16 =	vbroadcast v16, $0x0;
	v27 =	vld.idx.msk [tilespmem:v27+s19+$0x0], $0xffff;
	[tilespmem:s26+$0xFFFFFFE0] =	vst v18  }
0x137: {  	v18 =	vand.u32 $0x7E, v26;
	v26 =	vor.u32 v7, v13;
	v13 =	vmovc v8;
	v8 =	vmov v11;
	v25 =	vld.idx.msk [tilespmem:v25+s19+$0x0], $0xffff;
	[tilespmem:s26+$0x60] =	vst v21  }
0x138: {  	v31 =	vbroadcast v18, $0x0;
	v18 =	vor.u32 v0, v16;
	[tilespmem:s25+$0xB0] =	vst v22;
	v21 =	vld.idx.msk [tilespmem:v28+s19+$0x0], $0xffff  }
0x139: {  	v22 =	vor.u32 v4, v13;
	[tilespmem:s25+$0xFFFFFFB0] =	vst v23;
	v23 =	vld.idx.msk [tilespmem:v29+s19+$0x0], $0xffff  }
0x13a: {  	v11 =	vmov s29;
	v28 =	vor.u32 v0, v31;
	v24 =	vld.idx.msk [tilespmem:v24+s19+$0x0], $0xffff;
	[tilespmem:s25+$0x30] =	vst v17  }
0x13b: {  	v11 =	vand.u32 $0x7C, v11;
	v29 =	vor.u32 v5, v12;
	v17 =	vld.idx.msk [tilespmem:v30+s19+$0x0], $0xffff;
	[tilespmem:s26+$0xFFFFFF60] =	vst v19  }
0x13c: {  	v11 =	vbroadcast v11, $0x0;
	v19 =	vor.u32 v5, v9;
	[tilespmem:s25+$0xFFFFFF30] =	vst v27;
	v26 =	vld.idx.msk [tilespmem:v26+s19+$0x0], $0xffff  }
0x13d: {  	v27 =	vor.u32 v5, v10;
	v18 =	vld.idx.msk [tilespmem:v18+s19+$0x0], $0xffff;
	[tilespmem:s26+$0xFFFFFFF0] =	vst v25  }
0x13e: {  	v25 =	vor.u32 v0, v11;
	v22 =	vld.idx.msk [tilespmem:v22+s19+$0x0], $0xffff;
	[tilespmem:s26+$0x70] =	vst v21  }
0x13f: {  	v21 =	vld.idx.msk [tilespmem:v28+s19+$0x0], $0xffff;
	v28 =	vor.u32 v1, v16;
	[tilespmem:s25+$0xC0] =	vst v23  }
0x140: {  	v23 =	vor.u32 v1, v14;
	[tilespmem:s25+$0xFFFFFFC0] =	vst v24;
	v24 =	vld.idx.msk [tilespmem:v29+s19+$0x0], $0xffff  }
0x141: {  	v29 =	vor.u32 v1, v31;
	v19 =	vld.idx.msk [tilespmem:v19+s19+$0x0], $0xffff;
	[tilespmem:s25+$0x40] =	vst v17  }
0x142: {  	v17 =	vld.idx.msk [tilespmem:v27+s19+$0x0], $0xffff;
	v27 =	vor.u32 v6, v12;
	[tilespmem:s26+$0xFFFFFF70] =	vst v26;
	s26 =	smov.u32 s25;
	s25 =	sadd.s32 $0x200, s25  }
0x143: {  	v26 =	vor.u32 v1, v8;
	v25 =	vld.idx.msk [tilespmem:v25+s19+$0x0], $0xffff;
	[tilespmem:s25+$0x80] =	vst v18  }
0x144: {  	[tilespmem:s25+$0xFFFFFF80] =	vst v20;
	v18 =	vld.idx.msk [tilespmem:v28+s19+$0x0], $0xffff;
	v20 =	vor.u32 v5, v13  }
0x145: {  	v23 =	vld.idx.msk [tilespmem:v23+s19+$0x0], $0xffff;
	[tilespmem:s25+$0x0] =	vst v21;
	v21 =	vor.u32 v6, v9  }
0x146: {  	v28 =	vld.idx.msk [tilespmem:v29+s19+$0x0], $0xffff;
	v29 =	vor.u32 v2, v16;
	[tilespmem:s26+$0xD0] =	vst v24  }
0x147: {  	v24 =	vor.u32 v2, v14;
	[tilespmem:s25+$0xFFFFFF00] =	vst v15;
	v27 =	vld.idx.msk [tilespmem:v27+s19+$0x0], $0xffff  }
0x148: {  	v30 =	vor.u32 v2, v31;
	v26 =	vld.idx.msk [tilespmem:v26+s19+$0x0], $0xffff;
	[tilespmem:s26+$0xFFFFFF40] =	vst v22  }
0x149: {  	v15 =	vmov v25;
	v22 =	vld.idx.msk [tilespmem:v20+s19+$0x0], $0xffff;
	[tilespmem:s26+$0xFFFFFFD0] =	vst v19;
	v19 =	vor.u32 v7, v12;
	v12 =	vmov v16  }
0x14a: {  	v16 =	vor.u32 v2, v8;
	[tilespmem:s25+$0x90] =	vst v18;
	v18 =	vld.idx.msk [tilespmem:v21+s19+$0x0], $0xffff  }
0x14b: {  	s0 =	sadd.s32 $0x1, s29;
	v21 =	vor.u32 v6, v10;
	[tilespmem:s25+$0xFFFFFF90] =	vst v23;
	v23 =	vld.idx.msk [tilespmem:v29+s19+$0x0], $0xffff  }
0x14c: {  	v20 =	vmov s0;
	v25 =	vld.idx.msk [tilespmem:v24+s19+$0x0], $0xffff;
	[tilespmem:s25+$0x10] =	vst v28;
	v28 =	vor.u32 v6, v13  }
0x14d: {  	v20 =	vand.u32 $0x7D, v20;
	v32 =	vor.u32 v3, v12;
	v30 =	vld.idx.msk [tilespmem:v30+s19+$0x0], $0xffff;
	[tilespmem:s26+$0xE0] =	vst v27  }
0x14e: {  	v34 =	vor.u32 v3, v14;
	v33 =	vbroadcast v20, $0x0;
	[tilespmem:s25+$0xFFFFFF10] =	vst v26;
	v26 =	vld.idx.msk [tilespmem:v19+s19+$0x0], $0xffff  }
.Ltmp4:
0x14f: {  	v29 =	vor.u32 v3, v31;
	v24 =	vld.idx.msk [tilespmem:v16+s19+$0x0], $0xffff;
	[tilespmem:s26+$0x50] =	vst v17;
	(pc) =	sbr.rel @p0 .LBB2_9-.Ltmp4, $4  }
0x150: {  	v20 =	vor.u32 v0, v33;
	[tilespmem:s26+$0xFFFFFF50] =	vst v22;
	v21 =	vld.idx.msk [tilespmem:v21+s19+$0x0], $0xffff  }
0x151: {  	v27 =	vor.u32 v3, v8;
	[tilespmem:s25+$0xA0] =	vst v23;
	v19 =	vld.idx.msk [tilespmem:v28+s19+$0x0], $0xffff  }
0x152: {  	[tilespmem:s25+$0xFFFFFFA0] =	vst v25;
	v22 =	vld.idx.msk [tilespmem:v32+s19+$0x0], $0xffff;
	v25 =	vor.u32 v7, v9;
	v9 =	vmov v14;
	v14 =	vmov v33  }
0x153: {  	s29 =	sadd.s32 $0x4, s29;
	s0 =	sadd.s32 $0x3, s28;
	v28 =	vor.u32 v7, v10;
	v10 =	vmov v31;
	v23 =	vld.idx.msk [tilespmem:v34+s19+$0x0], $0xffff;
	[tilespmem:s25+$0x20] =	vst v30  }
0x154: {  	_ = 	snop  }
0x155: {  	[tilespmem:s26+$0xF0] =	vst v26  }
0x156: {  	[tilespmem:s25+$0xFFFFFF20] =	vst v24  }
0x157: {  	v16 =	vmov s0;
	s28 =	sadd.s32 $0x2, s28;
	[tilespmem:s26+$0xFFFFFFE0] =	vst v18  }
0x158: {  	v63 =	vld.idx.msk [tilespmem:v29+s19+$0x0], $0xffff;
	v33 =	vor.u32 v4, v12;
	s29 =	sadd.s32 $0x200, s25;
	v16 =	vand.u32 $0x7F, v16;
	v30 =	vmov s28;
	[tilespmem:s26+$0x60] =	vst v21  }
0x159: {  	v34 =	vor.u32 v4, v9;
	v20 =	vld.idx.msk [tilespmem:v20+s19+$0x0], $0xffff;
	[tilespmem:s29+$0xFFFFFF00] =	vst v15;
	v17 =	vbroadcast v16, $0x0;
	v37 =	vand.u32 $0x7E, v30  }
0x15a: {  	v13 =	vor.u32 v7, v13;
	v35 =	vld.idx.msk [tilespmem:v27+s19+$0x0], $0xffff;
	[tilespmem:s26+$0xFFFFFF60] =	vst v19;
	v16 =	vbroadcast v37, $0x0  }
0x15b: {  	v38 =	vld.idx.msk [tilespmem:v25+s19+$0x0], $0xffff;
	[tilespmem:s25+$0xB0] =	vst v22;
	v39 =	vor.u32 v0, v17  }
0x15c: {  	v40 =	vld.idx.msk [tilespmem:v28+s19+$0x0], $0xffff;
	[tilespmem:s25+$0xFFFFFFB0] =	vst v23;
	v42 =	vor.u32 v0, v16  }
0x15d: {  	v49 =	vor.u32 v1, v11;
	v41 =	vld.idx.msk [tilespmem:v33+s19+$0x0], $0xffff;
	[tilespmem:s25+$0x30] =	vst v63  }
0x15e: {  	v47 =	vor.u32 v1, v14;
	v24 =	vld.idx.msk [tilespmem:v34+s19+$0x0], $0xffff;
	[tilespmem:s29+$0xFFFFFF80] =	vst v20  }
0x15f: {  	v36 =	vor.u32 v4, v10;
	v13 =	vld.idx.msk [tilespmem:v13+s19+$0x0], $0xffff;
	[tilespmem:s25+$0xFFFFFF30] =	vst v35  }
0x160: {  	v44 =	vor.u32 v5, v12;
	[tilespmem:s26+$0xFFFFFFF0] =	vst v38;
	v25 =	vld.idx.msk [tilespmem:v39+s19+$0x0], $0xffff  }
0x161: {  	v45 =	vor.u32 v1, v17;
	[tilespmem:s26+$0x70] =	vst v40;
	v46 =	vld.idx.msk [tilespmem:v42+s19+$0x0], $0xffff  }
0x162: {  	v48 =	vor.u32 v1, v16;
	v57 =	vld.idx.msk [tilespmem:v49+s19+$0x0], $0xffff;
	[tilespmem:s25+$0xC0] =	vst v41  }
0x163: {  	v50 =	vor.u32 v4, v8;
	v53 =	vld.idx.msk [tilespmem:v47+s19+$0x0], $0xffff;
	[tilespmem:s25+$0xFFFFFFC0] =	vst v24  }
0x164: {  	v56 =	vor.u32 v2, v14;
	v43 =	vld.idx.msk [tilespmem:v36+s19+$0x0], $0xffff;
	[tilespmem:s26+$0xFFFFFF70] =	vst v13  }
0x165: {  	v62 =	vor.u32 v5, v10;
	v18 =	vld.idx.msk [tilespmem:v44+s19+$0x0], $0xffff;
	[tilespmem:s29+$0x80] =	vst v25  }
0x166: {  	v60 =	vor.u32 v2, v11;
	v52 =	vld.idx.msk [tilespmem:v45+s19+$0x0], $0xffff;
	[tilespmem:s29+$0x0] =	vst v46  }
0x167: {  	v54 =	vor.u32 v2, v17;
	[tilespmem:s29+$0xFFFFFF10] =	vst v57;
	v55 =	vld.idx.msk [tilespmem:v48+s19+$0x0], $0xffff  }
0x168: {  	v58 =	vor.u32 v2, v16;
	v59 =	vld.idx.msk [tilespmem:v50+s19+$0x0], $0xffff;
	[tilespmem:s29+$0xFFFFFF90] =	vst v53  }
0x169: {  	v33 =	vor.u32 v5, v8;
	[tilespmem:s25+$0x40] =	vst v43;
	v15 =	vld.idx.msk [tilespmem:v56+s19+$0x0], $0xffff  }
0x16a: {  	v61 =	vor.u32 v6, v12;
	v20 =	vld.idx.msk [tilespmem:v62+s19+$0x0], $0xffff;
	[tilespmem:s25+$0xD0] =	vst v18  }
0x16b: {  	v29 =	vor.u32 v3, v14;
	v18 =	vld.idx.msk [tilespmem:v60+s19+$0x0], $0xffff;
	[tilespmem:s29+$0x90] =	vst v52  }
0x16c: {  	v32 =	vor.u32 v3, v11;
	v63 =	vld.idx.msk [tilespmem:v54+s19+$0x0], $0xffff;
	[tilespmem:s29+$0x10] =	vst v55  }
0x16d: {  	v28 =	vor.u32 v3, v17;
	[tilespmem:s25+$0xFFFFFF40] =	vst v59;
	v19 =	vld.idx.msk [tilespmem:v58+s19+$0x0], $0xffff  }
0x16e: {  	v30 =	vor.u32 v3, v16;
	v41 =	vld.idx.msk [tilespmem:v33+s19+$0x0], $0xffff;
	[tilespmem:s29+$0xFFFFFFA0] =	vst v15  }
0x16f: {  	v51 =	vor.u32 v5, v9;
	v31 =	vld.idx.msk [tilespmem:v61+s19+$0x0], $0xffff;
	[tilespmem:s25+$0x50] =	vst v20  }
0x170: {  	v34 =	vor.u32 v7, v12;
	v13 =	vld.idx.msk [tilespmem:v29+s19+$0x0], $0xffff;
	[tilespmem:s29+$0xFFFFFF20] =	vst v18  }
0x171: {  	v38 =	vor.u32 v4, v14;
	v39 =	vld.idx.msk [tilespmem:v32+s19+$0x0], $0xffff;
	[tilespmem:s29+$0xA0] =	vst v63  }
0x172: {  	v42 =	vor.u32 v4, v11;
	v35 =	vld.idx.msk [tilespmem:v28+s19+$0x0], $0xffff;
	[tilespmem:s29+$0x20] =	vst v19  }
0x173: {  	v36 =	vor.u32 v4, v17;
	[tilespmem:s25+$0xFFFFFF50] =	vst v41;
	v37 =	vld.idx.msk [tilespmem:v30+s19+$0x0], $0xffff  }
0x174: {  	v40 =	vor.u32 v4, v16;
	v25 =	vld.idx.msk [tilespmem:v51+s19+$0x0], $0xffff;
	[tilespmem:s25+$0xE0] =	vst v31  }
0x175: {  	v44 =	vor.u32 v6, v10;
	v12 =	vld.idx.msk [tilespmem:v34+s19+$0x0], $0xffff;
	[tilespmem:s29+$0xFFFFFFB0] =	vst v13  }
0x176: {  	v43 =	vor.u32 v6, v9;
	v18 =	vld.idx.msk [tilespmem:v38+s19+$0x0], $0xffff;
	[tilespmem:s29+$0xFFFFFF30] =	vst v39  }
0x177: {  	v47 =	vor.u32 v5, v14;
	v20 =	vld.idx.msk [tilespmem:v42+s19+$0x0], $0xffff;
	[tilespmem:s29+$0xB0] =	vst v35  }
0x178: {  	v50 =	vor.u32 v5, v11;
	v45 =	vld.idx.msk [tilespmem:v36+s19+$0x0], $0xffff;
	[tilespmem:s29+$0x30] =	vst v37  }
0x179: {  	v46 =	vor.u32 v5, v17;
	[tilespmem:s25+$0xFFFFFFD0] =	vst v25;
	v21 =	vld.idx.msk [tilespmem:v40+s19+$0x0], $0xffff  }
0x17a: {  	v48 =	vor.u32 v5, v16;
	v15 =	vld.idx.msk [tilespmem:v44+s19+$0x0], $0xffff;
	[tilespmem:s25+$0xF0] =	vst v12  }
0x17b: {  	v51 =	vor.u32 v6, v8;
	v49 =	vld.idx.msk [tilespmem:v43+s19+$0x0], $0xffff;
	[tilespmem:s29+$0xFFFFFFC0] =	vst v18  }
0x17c: {  	v52 =	vor.u32 v7, v9;
	v18 =	vld.idx.msk [tilespmem:v47+s19+$0x0], $0xffff;
	[tilespmem:s29+$0xFFFFFF40] =	vst v20  }
0x17d: {  	v54 =	vor.u32 v6, v14;
	v12 =	vld.idx.msk [tilespmem:v50+s19+$0x0], $0xffff;
	[tilespmem:s29+$0xC0] =	vst v45  }
0x17e: {  	v57 =	vor.u32 v6, v11;
	v13 =	vld.idx.msk [tilespmem:v46+s19+$0x0], $0xffff;
	[tilespmem:s29+$0x40] =	vst v21  }
0x17f: {  	v53 =	vor.u32 v6, v17;
	[tilespmem:s25+$0x60] =	vst v15;
	v21 =	vld.idx.msk [tilespmem:v48+s19+$0x0], $0xffff  }
0x180: {  	v56 =	vld.idx.msk [tilespmem:v51+s19+$0x0], $0xffff;
	v55 =	vor.u32 v6, v16;
	[tilespmem:s25+$0xFFFFFFE0] =	vst v49  }
0x181: {  	v8 =	vor.u32 v7, v8;
	v9 =	vld.idx.msk [tilespmem:v52+s19+$0x0], $0xffff;
	[tilespmem:s29+$0xFFFFFFD0] =	vst v18  }
0x182: {  	v58 =	vor.u32 v7, v10;
	v18 =	vld.idx.msk [tilespmem:v54+s19+$0x0], $0xffff;
	[tilespmem:s29+$0xFFFFFF50] =	vst v12  }
0x183: {  	v60 =	vor.u32 v7, v14;
	v15 =	vld.idx.msk [tilespmem:v57+s19+$0x0], $0xffff;
	[tilespmem:s29+$0xD0] =	vst v13  }
0x184: {  	v61 =	vor.u32 v7, v11;
	v13 =	vld.idx.msk [tilespmem:v53+s19+$0x0], $0xffff;
	[tilespmem:s29+$0x50] =	vst v21  }
0x185: {  	v17 =	vor.u32 v7, v17;
	[tilespmem:s25+$0xFFFFFF60] =	vst v56;
	v59 =	vld.idx.msk [tilespmem:v55+s19+$0x0], $0xffff  }
0x186: {  	v16 =	vor.u32 v7, v16;
	v8 =	vld.idx.msk [tilespmem:v8+s19+$0x0], $0xffff;
	[tilespmem:s25+$0xFFFFFFF0] =	vst v9  }
0x187: {  	v10 =	vld.idx.msk [tilespmem:v58+s19+$0x0], $0xffff;
	[tilespmem:s29+$0xFFFFFFE0] =	vst v18  }
0x188: {  	v63 =	vld.idx.msk [tilespmem:v60+s19+$0x0], $0xffff;
	[tilespmem:s29+$0xFFFFFF60] =	vst v15  }
0x189: {  	v9 =	vld.idx.msk [tilespmem:v61+s19+$0x0], $0xffff;
	[tilespmem:s29+$0xE0] =	vst v13  }
0x18a: {  	v62 =	vld.idx.msk [tilespmem:v17+s19+$0x0], $0xffff;
	[tilespmem:s29+$0x60] =	vst v59  }
0x18b: {  	[tilespmem:s25+$0xFFFFFF70] =	vst v8;
	v12 =	vld.idx.msk [tilespmem:v16+s19+$0x0], $0xffff  }
0x18c: {  	[tilespmem:s25+$0x70] =	vst v10  }
0x18d: {  	s24 =	sshll.u32 s24, $0x12;
	[tilespmem:s29+$0xFFFFFFF0] =	vst v63  }
0x18e: {  	s0 =	sor.u32 s6, s24;
	[tilespmem:s29+$0xFFFFFF70] =	vst v9  }
0x18f: {  	s0 =	sshrl.u32 s0, $0x3;
	[tilespmem:s29+$0xF0] =	vst v62  }
0x190: {  	s26 =	simm.s32 $0xBC00;
	s25 =	sadd.s32 s2, s0;
	[tilespmem:s29+$0x70] =	vst v12  }
0x191: {  	[hbm4b:s25+s3] =	stream.linear.scatter [tilespmem:s26], [sflag:$0x4], $0x400, $0x38;
	[tilespmem:$0xDC00] =	vst v63  }
0x192: {  	s28 =	sadd.s32 s0, s7  }
0x193: {  	[hbm4b:s28+s3] =	stream.linear.scatter [tilespmem:s1], [sflag:$0x4], $0x400, $0x38;
	[tilespmem:$0xDC00] =	vst v63  }
0x194: {  	s29 =	sadd.s32 s0, s8  }
0x195: {  	[hbm4b:s29+s3] =	stream.linear.scatter [tilespmem:s16], [sflag:$0x4], $0x400, $0x38;
	[tilespmem:$0xDC00] =	vst v63  }
0x196: {  	s25 =	sadd.s32 s0, s9  }
0x197: {  	[hbm4b:s25+s3] =	stream.linear.scatter [tilespmem:s5], [sflag:$0x4], $0x400, $0x38;
	[tilespmem:$0xDC00] =	vst v63  }
0x198: {  	s23 =	sadd.s32 $0x1, s23;
	s26 =	sadd.s32 s0, s10  }
0x199: {  	[hbm4b:s26+s3] =	stream.linear.scatter [tilespmem:s14], [sflag:$0x4], $0x400, $0x38;
	[tilespmem:$0xDC00] =	vst v63  }
0x19a: {  	p0 =	sne.s32 s23, $0x19;
	s28 =	sadd.s32 s0, s11  }
0x19b: {  	[hbm4b:s28+s3] =	stream.linear.scatter [tilespmem:s17], [sflag:$0x4], $0x400, $0x38;
	[tilespmem:$0xDC00] =	vst v63  }
.Ltmp5:
0x19c: {  	_ = 	snop;
	(pc) =	sbr.rel @p0 .LBB2_2-.Ltmp5, $4  }
0x19d: {  	s29 =	sadd.s32 s0, s12  }
0x19e: {  	[hbm4b:s29+s3] =	stream.linear.scatter [tilespmem:s21], [sflag:$0x4], $0x400, $0x38;
	[tilespmem:$0xDC00] =	vst v63  }
0x19f: {  	s0 =	sadd.s32 s0, s13  }
0x1a0: {  	[hbm4b:s0+s3] =	stream.linear.scatter [tilespmem:s22], [sflag:$0x4], $0x400, $0x38;
	[tilespmem:$0xDC00] =	vst v63  }
0x1a1: {  	s0 =	simm.s32 $0x3  }
0x1a2: {  	_ =	swait.ge [sflag:s0], $0x400  }
0x1a3: {  	[sflag:s0] =	ssyncset.done $0x0  }
0x1a4: {  	[sflag:s0] =	ssyncadd.s32 $0xFFFFFC00  }
0x1a5: {  	_ =	swait.ge [sflag:s0], $0x400  }
0x1a6: {  	[sflag:s0] =	ssyncset.done $0x0  }
0x1a7: {  	[sflag:s0] =	ssyncadd.s32 $0xFFFFFC00  }
0x1a8: {  	_ =	swait.ge [sflag:s0], $0x400  }
0x1a9: {  	[sflag:s0] =	ssyncset.done $0x0  }
0x1aa: {  	[sflag:s0] =	ssyncadd.s32 $0xFFFFFC00  }
0x1ab: {  	_ =	swait.ge [sflag:s0], $0x400  }
0x1ac: {  	[sflag:s0] =	ssyncset.done $0x0  }
0x1ad: {  	[sflag:s0] =	ssyncadd.s32 $0xFFFFFC00  }
0x1ae: {  	_ =	swait.ge [sflag:s0], $0x400  }
0x1af: {  	[sflag:s0] =	ssyncset.done $0x0  }
0x1b0: {  	[sflag:s0] =	ssyncadd.s32 $0xFFFFFC00  }
0x1b1: {  	_ =	swait.ge [sflag:s0], $0x400  }
0x1b2: {  	[sflag:s0] =	ssyncset.done $0x0  }
0x1b3: {  	[sflag:s0] =	ssyncadd.s32 $0xFFFFFC00  }
0x1b4: {  	_ =	swait.ge [sflag:s0], $0x400  }
0x1b5: {  	[sflag:s0] =	ssyncset.done $0x0  }
0x1b6: {  	[sflag:s0] =	ssyncadd.s32 $0xFFFFFC00  }
0x1b7: {  	_ =	swait.ge [sflag:s0], $0x400  }
0x1b8: {  	[sflag:s0] =	ssyncset.done $0x0  }
0x1b9: {  	[sflag:s0] =	ssyncadd.s32 $0xFFFFFC00  }
0x1ba: {  	_ =	swait.ge [sflag:s31], $0x400  }
0x1bb: {  	[sflag:s31] =	ssyncset.done $0x0  }
0x1bc: {  	[sflag:s31] =	ssyncadd.s32 $0xFFFFFC00  }
0x1bd: {  	_ =	swait.ge [sflag:s31], $0x400  }
0x1be: {  	[sflag:s31] =	ssyncset.done $0x0  }
0x1bf: {  	[sflag:s31] =	ssyncadd.s32 $0xFFFFFC00  }
0x1c0: {  	_ =	swait.ge [sflag:s31], $0x400  }
0x1c1: {  	[sflag:s31] =	ssyncset.done $0x0  }
0x1c2: {  	[sflag:s31] =	ssyncadd.s32 $0xFFFFFC00  }
0x1c3: {  	_ =	swait.ge [sflag:s31], $0x400  }
0x1c4: {  	[sflag:s31] =	ssyncset.done $0x0  }
0x1c5: {  	[sflag:s31] =	ssyncadd.s32 $0xFFFFFC00  }
0x1c6: {  	_ =	swait.ge [sflag:s31], $0x400  }
0x1c7: {  	[sflag:s31] =	ssyncset.done $0x0  }
0x1c8: {  	[sflag:s31] =	ssyncadd.s32 $0xFFFFFC00  }
0x1c9: {  	_ =	swait.ge [sflag:s31], $0x400  }
0x1ca: {  	[sflag:s31] =	ssyncset.done $0x0  }
0x1cb: {  	[sflag:s31] =	ssyncadd.s32 $0xFFFFFC00  }
0x1cc: {  	_ =	swait.ge [sflag:s31], $0x400  }
0x1cd: {  	[sflag:s31] =	ssyncset.done $0x0  }
0x1ce: {  	[sflag:s31] =	ssyncadd.s32 $0xFFFFFC00  }
0x1cf: {  	_ =	swait.ge [sflag:s31], $0x400  }
0x1d0: {  	s23 =	rddreg [dreg:$0x5]  }
0x1d1: {  	s29 =	rddreg [dreg:$0x4];
	s23 =	sadd.s32 $0x1, s23  }
0x1d2: {  	p0 =	sne.s32 s23, s29  }
.Ltmp6:
0x1d3: {  	_ = 	snop;
	(pc) =	sbr.rel @p0 .LBB2_1-.Ltmp6, $3  }
0x1d4: {  	_ =	sdelay $0x1  }
0x1d5: {  	[sflag:s31] =	ssyncset.done $0x0  }
0x1d6: {  	[sflag:s31] =	ssyncadd.s32 $0xFFFFFC00  }
0x1d7: {  	_ =	sfence.sel $0x180000  }
0x1d8: {  	[bflag:$0x0] =	sbarrier.arrive $0xFFFF  }
0x1d9: {  	_ =	strace $0x90000047  }
0x1da: {  	s0 =	stileid.u32;
	[bflag:$0x2] =	sbarrier.arrive $0xFFFF  }
0x1db: {  	p0 =	sne.s32 s0, $0x0;
	s0 =	rddreg [dreg:$0x2]  }
0x1dc: {  	s0 =	sadd.s32 @!p0 $0x100000, s0  }
0x1dd: {  	[sflag:s0] =	ssyncadd.tile.s32 @!p0 $0x1;
	_ =	shalt  }
.Lfunc_end2:
_tile_overlayer_lowered:
.L_overlay_start_2:
0x1de: {  	(tag) =	ssettag $0x2  }
0x1df: {  	s0 =	rddreg [dreg:$0x0];
	s2 =	stileid.u32  }
0x1e0: {  	s1 =	rddreg [dreg:$0x1];
	p0 =	sne.s32 s2, $0x0  }
0x1e1: {  	s3 =	rddreg [dreg:$0x2];
	[bflag:$0x3] =	sbarrier.arrive $0xFFFF;
	s2 =	simm.s32 @!p0 $0x1C05  }
0x1e2: {  	[timem:s3], [sflag:s2] =	dma.local @!p0 [hbm:s0], s1  }
0x1e3: {  	s0 =	simm.s32 @!p0 $0x5  }
0x1e4: {  	_ =	swait.ge @!p0 [sflag:s0], s1  }
0x1e5: {  	s1 =	ssub.s32 @!p0 $0x0, s1;
	[sflag:s0] =	ssyncset.done @!p0 $0x0  }
0x1e6: {  	[sflag:s0] =	ssyncadd.s32 @!p0 s1  }
0x1e7: {  	[bflag:$0x3] =	sbarrier.arrive $0xFFFF  }
0x1e8: {  	_ =	shalt  }

</sc_bundles>
